<compile_context>
chip_gen: v7x
topology: tpu7x:2x2x1
jax: 0.10.2.dev20260603
libtpu: 0.0.44.dev20260713+nightly
codegen_flags: <defaults>
</compile_context>

<pallas_src>
import functools

import jax
import jax.numpy as jnp
from jax import lax
from jax.experimental import pallas as pl
from jax.experimental.pallas import tpu as pltpu
from jax.experimental.pallas import tpu_sc as plsc

_B = 16384
_L = 20
_NC = 2
_NS = 16
_NW = _NC * _NS
_LANES = 16
_SAMPLES_PER_W = _B // _NW
_TOL = 0.5

_mesh = plsc.VectorSubcoreMesh(
    core_axis_name="c", subcore_axis_name="s",
    num_cores=_NC, num_subcores=_NS)


@functools.partial(
    pl.kernel,
    out_type=jax.ShapeDtypeStruct((_NW, 2, _LANES), jnp.float32),
    mesh=_mesh,
    compiler_params=pltpu.CompilerParams(needs_layout_passes=False),
    scratch_types=[
        pltpu.VMEM((_L, _SAMPLES_PER_W), jnp.int32),
        pltpu.VMEM((_L, _SAMPLES_PER_W), jnp.float32),
        pltpu.VMEM((120,), jnp.float32),
        pltpu.VMEM((256,), jnp.float32),
        pltpu.VMEM((2, _LANES), jnp.float32),
        pltpu.SemaphoreType.DMA,
        pltpu.SemaphoreType.DMA,
    ],
)
def _sc_charge_loss(pw_hbm, frac_hbm, table_hbm, out_hbm,
                    pw_v, frac_v, table_v, t256_v, out_v, sem1, sem2):
    wid = lax.axis_index("s") * _NC + lax.axis_index("c")
    base = wid * _SAMPLES_PER_W
    cp1 = pltpu.async_copy(pw_hbm.at[:, pl.ds(base, _SAMPLES_PER_W)],
                           pw_v, sem1)
    cp2 = pltpu.async_copy(frac_hbm.at[:, pl.ds(base, _SAMPLES_PER_W)],
                           frac_v, sem2)
    pltpu.sync_copy(table_hbm, table_v)

    iota = lax.iota(jnp.int32, _LANES)
    for k in range(256 // _LANES):
        i = k * _LANES + iota
        idx = jnp.minimum(i & 127, 119)
        mf = (i >> 7).astype(jnp.float32)
        t256_v[pl.ds(k * _LANES, _LANES)] = (
            plsc.load_gather(table_v, [idx]) * mf)

    cp1.wait()
    cp2.wait()

    def body(g, carry):
        loss_acc, abs_acc = carry
        accs = []
        for half in range(2):
            c0 = (g * 2 + half) * _LANES
            tcs = [jnp.zeros((_LANES,), jnp.float32) for _ in range(4)]
            for l in range(0, _L, 4):
                for q in range(4):
                    w = pw_v[l + q, pl.ds(c0, _LANES)]
                    f = frac_v[l + q, pl.ds(c0, _LANES)]
                    tcs[q] = tcs[q] + f * plsc.load_gather(t256_v, [w])
            tc = (tcs[0] + tcs[1]) + (tcs[2] + tcs[3])
            a = jnp.abs(tc)
            ex = jnp.maximum(a - _TOL, 0.0)
            e2 = jnp.exp(2.0 * ex)
            t = 1.0 - 2.0 / (e2 + 1.0)
            accs.append((t, a))
        loss_acc = loss_acc + accs[0][0] + accs[1][0]
        abs_acc = abs_acc + accs[0][1] + accs[1][1]
        return loss_acc, abs_acc

    zero = jnp.zeros((_LANES,), jnp.float32)
    loss_acc, abs_acc = lax.fori_loop(
        0, _SAMPLES_PER_W // (2 * _LANES), body, (zero, zero))

    out_v[0, :] = loss_acc * (1.0 / _B)
    out_v[1, :] = abs_acc * (1.0 / _B)
    pltpu.sync_copy(out_v, out_hbm.at[wid])


def kernel(element_indices, element_fractions, element_mask, oxidation_states):
    pw = (element_indices.astype(jnp.int32)
          | (element_mask.astype(jnp.int32) << 7)).T
    ef = element_fractions.T
    partials = _sc_charge_loss(pw, ef, oxidation_states)
    charge_balance_loss = jnp.sum(partials[:, 0, :])
    mean_charge_imbalance = jnp.sum(partials[:, 1, :])
    return (charge_balance_loss, mean_charge_imbalance)

# --- scband reference (transcript-rebuilt; emitter-appended) ---
"""Pipeline reference for scband-charge-balance-loss-24610162606612 (READ-ONLY COPY).

The authoritative reference and input builder live on the scoring server;
editing this copy changes nothing except your own understanding.
"""

import jax, jax.numpy as jnp
import numpy as np

_COMMON_OXIDATION = {3: 1.0, 11: 1.0, 19: 1.0, 37: 1.0, 55: 1.0, 4: 2.0, 12: 2.0, 20: 2.0, 38: 2.0, 56: 2.0, 39: 3.0, 57: 3.0, 58: 3.0, 59: 3.0, 60: 3.0, 62: 3.0, 63: 2.0, 64: 3.0, 66: 3.0, 67: 3.0, 68: 3.0, 69: 3.0, 70: 2.0, 71: 3.0, 29: 2.0, 26: 2.0, 27: 2.0, 28: 2.0, 25: 2.0, 13: 3.0, 31: 3.0, 49: 3.0, 81: 3.0, 82: 2.0, 83: 3.0, 50: 4.0, 5: 3.0, 6: 4.0, 7: -3.0, 8: -2.0, 9: -1.0, 15: -3.0, 16: -2.0, 17: -1.0, 33: -3.0, 34: -2.0, 52: -2.0, 80: 2.0, 41: 5.0, 23: 5.0, 22: 4.0, 40: 4.0, 72: 4.0, 42: 6.0, 74: 6.0}

WEIGHT = 1.0
TOLERANCE = 0.5
MAX_Z = 119


def setup_inputs(seed: int = 0) -> dict:
    key = jax.random.key(seed)
    k1, k2, k3 = jax.random.split(key, 3)
    B, L = 16384, 20
    element_indices = jax.random.randint(k1, (B, L), 0, 120)
    element_fractions = jax.random.uniform(k2, (B, L), dtype=jnp.float32)
    element_mask = jax.random.randint(k3, (B, L), 0, 2).astype(bool)
    ox_np = np.zeros(MAX_Z + 1, dtype=np.float32)
    for z, ox in _COMMON_OXIDATION.items():
        ox_np[z] = ox
    oxidation_states = jnp.asarray(ox_np)
    return {
        "element_indices": element_indices,
        "element_fractions": element_fractions,
        "element_mask": element_mask,
        "oxidation_states": oxidation_states,
    }


def reference(element_indices, element_fractions, element_mask, oxidation_states):
    safe_indices = jnp.clip(element_indices, 0, oxidation_states.shape[0] - 1)
    ox = jnp.take(oxidation_states, safe_indices, axis=0)
    charge_per_element = element_fractions * ox * element_mask.astype(jnp.float32)
    total_charge = charge_per_element.sum(axis=1)
    abs_charge = jnp.abs(total_charge)
    excess = jnp.maximum(abs_charge - TOLERANCE, 0.0)
    loss_per_sample = jnp.tanh(excess)
    loss = loss_per_sample.mean()
    charge_balance_loss = WEIGHT * loss
    mean_charge_imbalance = jax.lax.stop_gradient(abs_charge.mean())
    return (charge_balance_loss, mean_charge_imbalance)

if __name__ == "__main__":
    import jax
    _d = setup_inputs()
    print(jax.jit(kernel)(*tuple(_d.values())))

</pallas_src>

<mosaic_0001>
#map = affine_map<(d0, d1) -> (0, 0)>
#map1 = affine_map<(d0, d1) -> (0)>
#map2 = affine_map<(d0, d1) -> (0, 0, 0)>
module attributes {stable_mosaic.version = 14 : i64} {
  func.func @_sc_charge_loss(%arg0: i32, %arg1: i32, %arg2: memref<20x16384xi32, #tpu.memory_space<hbm>>, %arg3: memref<20x16384xf32, #tpu.memory_space<hbm>>, %arg4: memref<120xf32, #tpu.memory_space<hbm>>, %arg5: memref<32x2x16xf32, #tpu.memory_space<hbm>>, %arg6: memref<20x512xi32, #tpu.memory_space<vmem>>, %arg7: memref<20x512xf32, #tpu.memory_space<vmem>>, %arg8: memref<120xf32, #tpu.memory_space<vmem>>, %arg9: memref<256xf32, #tpu.memory_space<vmem>>, %arg10: memref<2x16xf32, #tpu.memory_space<vmem>>, %arg11: memref<!tpu.dma_semaphore, #tpu.memory_space<semaphore_mem>>, %arg12: memref<!tpu.dma_semaphore, #tpu.memory_space<semaphore_mem>>) attributes {dimension_semantics = [#tpu.dimension_semantics<core_parallel>, #tpu.dimension_semantics<subcore_parallel>], iteration_bounds = array<i64: 2, 16>, scalar_prefetch = 0 : i64, scratch_operands = 7 : i64, tpu.core_type = #tpu.core_type<sc_vector_subcore>, window_params = [{transform_indices = #map}, {transform_indices = #map}, {transform_indices = #map1}, {transform_indices = #map2}]} {
    %mul3A = arith.constant 2 : i32
    %mul3A_0 = arith.muli %arg1, %mul3A : i32
    %add3A = arith.addi %mul3A_0, %arg0 : i32
    %mul3A_1 = arith.constant 512 : i32
    %mul3A_2 = arith.muli %add3A, %mul3A_1 : i32
    %dma_start3A = arith.constant 0 : i32
    %dma_start3A_3 = tpu.memref_slice %arg2[%dma_start3A, %mul3A_2] : memref<20x16384xi32, #tpu.memory_space<hbm>> -> memref<20x512xi32, #tpu.memory_space<hbm>>
    %dma_start3A_4 = arith.constant 0 : i32
    %dma_start3A_5 = tpu.memref_slice %arg2[%dma_start3A_4, %mul3A_2] : memref<20x16384xi32, #tpu.memory_space<hbm>> -> memref<20x512xi32, #tpu.memory_space<hbm>>
    tpu.enqueue_dma source(%dma_start3A_5 : memref<20x512xi32, #tpu.memory_space<hbm>>) target(%arg6 : memref<20x512xi32, #tpu.memory_space<vmem>>) target_semaphore(%arg11 : memref<!tpu.dma_semaphore, #tpu.memory_space<semaphore_mem>>)
    %dma_start3A_6 = arith.constant 0 : i32
    %dma_start3A_7 = tpu.memref_slice %arg3[%dma_start3A_6, %mul3A_2] : memref<20x16384xf32, #tpu.memory_space<hbm>> -> memref<20x512xf32, #tpu.memory_space<hbm>>
    %dma_start3A_8 = arith.constant 0 : i32
    %dma_start3A_9 = tpu.memref_slice %arg3[%dma_start3A_8, %mul3A_2] : memref<20x16384xf32, #tpu.memory_space<hbm>> -> memref<20x512xf32, #tpu.memory_space<hbm>>
    tpu.enqueue_dma source(%dma_start3A_9 : memref<20x512xf32, #tpu.memory_space<hbm>>) target(%arg7 : memref<20x512xf32, #tpu.memory_space<vmem>>) target_semaphore(%arg12 : memref<!tpu.dma_semaphore, #tpu.memory_space<semaphore_mem>>)
    "tpu.region"() ({
      %run_scoped3A = tpu.sem_alloc : memref<!tpu.dma_semaphore, #tpu.memory_space<semaphore_mem>>
      tpu.enqueue_dma source(%arg4 : memref<120xf32, #tpu.memory_space<hbm>>) target(%arg8 : memref<120xf32, #tpu.memory_space<vmem>>) target_semaphore(%run_scoped3A : memref<!tpu.dma_semaphore, #tpu.memory_space<semaphore_mem>>)
      tpu.wait_dma2 semaphore(%run_scoped3A : memref<!tpu.dma_semaphore, #tpu.memory_space<semaphore_mem>>) src(%arg4 : memref<120xf32, #tpu.memory_space<hbm>>) dst(%arg8 : memref<120xf32, #tpu.memory_space<vmem>>)
      tpu.yield
    }) : () -> ()
    %iota3A = tpu.iota {dimensions = array<i32: 0>} : vector<16xi32>
    %add3A_10 = arith.constant 0 : i32
    %add3A_11 = vector.broadcast %add3A_10 : i32 to vector<16xi32>
    %add3A_12 = arith.addi %add3A_11, %iota3A : vector<16xi32>
    %and3A = arith.constant 127 : i32
    %and3A_13 = vector.broadcast %and3A : i32 to vector<16xi32>
    %and3A_14 = arith.andi %add3A_12, %and3A_13 : vector<16xi32>
    %min3A = arith.constant 119 : i32
    %min3A_15 = vector.broadcast %min3A : i32 to vector<16xi32>
    %min3A_16 = arith.minsi %and3A_14, %min3A_15 : vector<16xi32>
    %shift_right_arithmetic3A = arith.constant 7 : i32
    %shift_right_arithmetic3A_17 = vector.broadcast %shift_right_arithmetic3A : i32 to vector<16xi32>
    %shift_right_arithmetic3A_18 = arith.shrsi %add3A_12, %shift_right_arithmetic3A_17 : vector<16xi32>
    %convert_element_type3A = arith.sitofp %shift_right_arithmetic3A_18 : vector<16xi32> to vector<16xf32>
    %gather3A = tpu.vector_load_idx %arg8[%min3A_16] : memref<120xf32, #tpu.memory_space<vmem>>[vector<16xi32>], vector<16xf32>,
    %mul3A_19 = arith.mulf %gather3A, %convert_element_type3A : vector<16xf32>
    %swap3A = arith.constant 0 : index
    %swap3A_20 = tpu.vector_load %arg9[%swap3A] {strides = array<i32>} : memref<256xf32, #tpu.memory_space<vmem>>, vector<16xf32>,
    tpu.vector_store %arg9[%swap3A], %mul3A_19 {strides = array<i32>} : memref<256xf32, #tpu.memory_space<vmem>>, vector<16xf32>,
    %add3A_21 = arith.constant 16 : i32
    %add3A_22 = vector.broadcast %add3A_21 : i32 to vector<16xi32>
    %add3A_23 = arith.addi %add3A_22, %iota3A : vector<16xi32>
    %and3A_24 = arith.constant 127 : i32
    %and3A_25 = vector.broadcast %and3A_24 : i32 to vector<16xi32>
    %and3A_26 = arith.andi %add3A_23, %and3A_25 : vector<16xi32>
    %min3A_27 = arith.constant 119 : i32
    %min3A_28 = vector.broadcast %min3A_27 : i32 to vector<16xi32>
    %min3A_29 = arith.minsi %and3A_26, %min3A_28 : vector<16xi32>
    %shift_right_arithmetic3A_30 = arith.constant 7 : i32
    %shift_right_arithmetic3A_31 = vector.broadcast %shift_right_arithmetic3A_30 : i32 to vector<16xi32>
    %shift_right_arithmetic3A_32 = arith.shrsi %add3A_23, %shift_right_arithmetic3A_31 : vector<16xi32>
    %convert_element_type3A_33 = arith.sitofp %shift_right_arithmetic3A_32 : vector<16xi32> to vector<16xf32>
    %gather3A_34 = tpu.vector_load_idx %arg8[%min3A_29] : memref<120xf32, #tpu.memory_space<vmem>>[vector<16xi32>], vector<16xf32>,
    %mul3A_35 = arith.mulf %gather3A_34, %convert_element_type3A_33 : vector<16xf32>
    %swap3A_36 = arith.constant 16 : index
    %swap3A_37 = tpu.vector_load %arg9[%swap3A_36] {strides = array<i32>} : memref<256xf32, #tpu.memory_space<vmem>>, vector<16xf32>,
    tpu.vector_store %arg9[%swap3A_36], %mul3A_35 {strides = array<i32>} : memref<256xf32, #tpu.memory_space<vmem>>, vector<16xf32>,
    %add3A_38 = arith.constant 32 : i32
    %add3A_39 = vector.broadcast %add3A_38 : i32 to vector<16xi32>
    %add3A_40 = arith.addi %add3A_39, %iota3A : vector<16xi32>
    %and3A_41 = arith.constant 127 : i32
    %and3A_42 = vector.broadcast %and3A_41 : i32 to vector<16xi32>
    %and3A_43 = arith.andi %add3A_40, %and3A_42 : vector<16xi32>
    %min3A_44 = arith.constant 119 : i32
    %min3A_45 = vector.broadcast %min3A_44 : i32 to vector<16xi32>
    %min3A_46 = arith.minsi %and3A_43, %min3A_45 : vector<16xi32>
    %shift_right_arithmetic3A_47 = arith.constant 7 : i32
    %shift_right_arithmetic3A_48 = vector.broadcast %shift_right_arithmetic3A_47 : i32 to vector<16xi32>
    %shift_right_arithmetic3A_49 = arith.shrsi %add3A_40, %shift_right_arithmetic3A_48 : vector<16xi32>
    %convert_element_type3A_50 = arith.sitofp %shift_right_arithmetic3A_49 : vector<16xi32> to vector<16xf32>
    %gather3A_51 = tpu.vector_load_idx %arg8[%min3A_46] : memref<120xf32, #tpu.memory_space<vmem>>[vector<16xi32>], vector<16xf32>,
    %mul3A_52 = arith.mulf %gather3A_51, %convert_element_type3A_50 : vector<16xf32>
    %swap3A_53 = arith.constant 32 : index
    %swap3A_54 = tpu.vector_load %arg9[%swap3A_53] {strides = array<i32>} : memref<256xf32, #tpu.memory_space<vmem>>, vector<16xf32>,
    tpu.vector_store %arg9[%swap3A_53], %mul3A_52 {strides = array<i32>} : memref<256xf32, #tpu.memory_space<vmem>>, vector<16xf32>,
    %add3A_55 = arith.constant 48 : i32
    %add3A_56 = vector.broadcast %add3A_55 : i32 to vector<16xi32>
    %add3A_57 = arith.addi %add3A_56, %iota3A : vector<16xi32>
    %and3A_58 = arith.constant 127 : i32
    %and3A_59 = vector.broadcast %and3A_58 : i32 to vector<16xi32>
    %and3A_60 = arith.andi %add3A_57, %and3A_59 : vector<16xi32>
    %min3A_61 = arith.constant 119 : i32
    %min3A_62 = vector.broadcast %min3A_61 : i32 to vector<16xi32>
    %min3A_63 = arith.minsi %and3A_60, %min3A_62 : vector<16xi32>
    %shift_right_arithmetic3A_64 = arith.constant 7 : i32
    %shift_right_arithmetic3A_65 = vector.broadcast %shift_right_arithmetic3A_64 : i32 to vector<16xi32>
    %shift_right_arithmetic3A_66 = arith.shrsi %add3A_57, %shift_right_arithmetic3A_65 : vector<16xi32>
    %convert_element_type3A_67 = arith.sitofp %shift_right_arithmetic3A_66 : vector<16xi32> to vector<16xf32>
    %gather3A_68 = tpu.vector_load_idx %arg8[%min3A_63] : memref<120xf32, #tpu.memory_space<vmem>>[vector<16xi32>], vector<16xf32>,
    %mul3A_69 = arith.mulf %gather3A_68, %convert_element_type3A_67 : vector<16xf32>
    %swap3A_70 = arith.constant 48 : index
    %swap3A_71 = tpu.vector_load %arg9[%swap3A_70] {strides = array<i32>} : memref<256xf32, #tpu.memory_space<vmem>>, vector<16xf32>,
    tpu.vector_store %arg9[%swap3A_70], %mul3A_69 {strides = array<i32>} : memref<256xf32, #tpu.memory_space<vmem>>, vector<16xf32>,
    %add3A_72 = arith.constant 64 : i32
    %add3A_73 = vector.broadcast %add3A_72 : i32 to vector<16xi32>
    %add3A_74 = arith.addi %add3A_73, %iota3A : vector<16xi32>
    %and3A_75 = arith.constant 127 : i32
    %and3A_76 = vector.broadcast %and3A_75 : i32 to vector<16xi32>
    %and3A_77 = arith.andi %add3A_74, %and3A_76 : vector<16xi32>
    %min3A_78 = arith.constant 119 : i32
    %min3A_79 = vector.broadcast %min3A_78 : i32 to vector<16xi32>
    %min3A_80 = arith.minsi %and3A_77, %min3A_79 : vector<16xi32>
    %shift_right_arithmetic3A_81 = arith.constant 7 : i32
    %shift_right_arithmetic3A_82 = vector.broadcast %shift_right_arithmetic3A_81 : i32 to vector<16xi32>
    %shift_right_arithmetic3A_83 = arith.shrsi %add3A_74, %shift_right_arithmetic3A_82 : vector<16xi32>
    %convert_element_type3A_84 = arith.sitofp %shift_right_arithmetic3A_83 : vector<16xi32> to vector<16xf32>
    %gather3A_85 = tpu.vector_load_idx %arg8[%min3A_80] : memref<120xf32, #tpu.memory_space<vmem>>[vector<16xi32>], vector<16xf32>,
    %mul3A_86 = arith.mulf %gather3A_85, %convert_element_type3A_84 : vector<16xf32>
    %swap3A_87 = arith.constant 64 : index
    %swap3A_88 = tpu.vector_load %arg9[%swap3A_87] {strides = array<i32>} : memref<256xf32, #tpu.memory_space<vmem>>, vector<16xf32>,
    tpu.vector_store %arg9[%swap3A_87], %mul3A_86 {strides = array<i32>} : memref<256xf32, #tpu.memory_space<vmem>>, vector<16xf32>,
    %add3A_89 = arith.constant 80 : i32
    %add3A_90 = vector.broadcast %add3A_89 : i32 to vector<16xi32>
    %add3A_91 = arith.addi %add3A_90, %iota3A : vector<16xi32>
    %and3A_92 = arith.constant 127 : i32
    %and3A_93 = vector.broadcast %and3A_92 : i32 to vector<16xi32>
    %and3A_94 = arith.andi %add3A_91, %and3A_93 : vector<16xi32>
    %min3A_95 = arith.constant 119 : i32
    %min3A_96 = vector.broadcast %min3A_95 : i32 to vector<16xi32>
    %min3A_97 = arith.minsi %and3A_94, %min3A_96 : vector<16xi32>
    %shift_right_arithmetic3A_98 = arith.constant 7 : i32
    %shift_right_arithmetic3A_99 = vector.broadcast %shift_right_arithmetic3A_98 : i32 to vector<16xi32>
    %shift_right_arithmetic3A_100 = arith.shrsi %add3A_91, %shift_right_arithmetic3A_99 : vector<16xi32>
    %convert_element_type3A_101 = arith.sitofp %shift_right_arithmetic3A_100 : vector<16xi32> to vector<16xf32>
    %gather3A_102 = tpu.vector_load_idx %arg8[%min3A_97] : memref<120xf32, #tpu.memory_space<vmem>>[vector<16xi32>], vector<16xf32>,
    %mul3A_103 = arith.mulf %gather3A_102, %convert_element_type3A_101 : vector<16xf32>
    %swap3A_104 = arith.constant 80 : index
    %swap3A_105 = tpu.vector_load %arg9[%swap3A_104] {strides = array<i32>} : memref<256xf32, #tpu.memory_space<vmem>>, vector<16xf32>,
    tpu.vector_store %arg9[%swap3A_104], %mul3A_103 {strides = array<i32>} : memref<256xf32, #tpu.memory_space<vmem>>, vector<16xf32>,
    %add3A_106 = arith.constant 96 : i32
    %add3A_107 = vector.broadcast %add3A_106 : i32 to vector<16xi32>
    %add3A_108 = arith.addi %add3A_107, %iota3A : vector<16xi32>
    %and3A_109 = arith.constant 127 : i32
    %and3A_110 = vector.broadcast %and3A_109 : i32 to vector<16xi32>
    %and3A_111 = arith.andi %add3A_108, %and3A_110 : vector<16xi32>
    %min3A_112 = arith.constant 119 : i32
    %min3A_113 = vector.broadcast %min3A_112 : i32 to vector<16xi32>
    %min3A_114 = arith.minsi %and3A_111, %min3A_113 : vector<16xi32>
    %shift_right_arithmetic3A_115 = arith.constant 7 : i32
    %shift_right_arithmetic3A_116 = vector.broadcast %shift_right_arithmetic3A_115 : i32 to vector<16xi32>
    %shift_right_arithmetic3A_117 = arith.shrsi %add3A_108, %shift_right_arithmetic3A_116 : vector<16xi32>
    %convert_element_type3A_118 = arith.sitofp %shift_right_arithmetic3A_117 : vector<16xi32> to vector<16xf32>
    %gather3A_119 = tpu.vector_load_idx %arg8[%min3A_114] : memref<120xf32, #tpu.memory_space<vmem>>[vector<16xi32>], vector<16xf32>,
    %mul3A_120 = arith.mulf %gather3A_119, %convert_element_type3A_118 : vector<16xf32>
    %swap3A_121 = arith.constant 96 : index
    %swap3A_122 = tpu.vector_load %arg9[%swap3A_121] {strides = array<i32>} : memref<256xf32, #tpu.memory_space<vmem>>, vector<16xf32>,
    tpu.vector_store %arg9[%swap3A_121], %mul3A_120 {strides = array<i32>} : memref<256xf32, #tpu.memory_space<vmem>>, vector<16xf32>,
    %add3A_123 = arith.constant 112 : i32
    %add3A_124 = vector.broadcast %add3A_123 : i32 to vector<16xi32>
    %add3A_125 = arith.addi %add3A_124, %iota3A : vector<16xi32>
    %and3A_126 = arith.constant 127 : i32
    %and3A_127 = vector.broadcast %and3A_126 : i32 to vector<16xi32>
    %and3A_128 = arith.andi %add3A_125, %and3A_127 : vector<16xi32>
    %min3A_129 = arith.constant 119 : i32
    %min3A_130 = vector.broadcast %min3A_129 : i32 to vector<16xi32>
    %min3A_131 = arith.minsi %and3A_128, %min3A_130 : vector<16xi32>
    %shift_right_arithmetic3A_132 = arith.constant 7 : i32
    %shift_right_arithmetic3A_133 = vector.broadcast %shift_right_arithmetic3A_132 : i32 to vector<16xi32>
    %shift_right_arithmetic3A_134 = arith.shrsi %add3A_125, %shift_right_arithmetic3A_133 : vector<16xi32>
    %convert_element_type3A_135 = arith.sitofp %shift_right_arithmetic3A_134 : vector<16xi32> to vector<16xf32>
    %gather3A_136 = tpu.vector_load_idx %arg8[%min3A_131] : memref<120xf32, #tpu.memory_space<vmem>>[vector<16xi32>], vector<16xf32>,
    %mul3A_137 = arith.mulf %gather3A_136, %convert_element_type3A_135 : vector<16xf32>
    %swap3A_138 = arith.constant 112 : index
    %swap3A_139 = tpu.vector_load %arg9[%swap3A_138] {strides = array<i32>} : memref<256xf32, #tpu.memory_space<vmem>>, vector<16xf32>,
    tpu.vector_store %arg9[%swap3A_138], %mul3A_137 {strides = array<i32>} : memref<256xf32, #tpu.memory_space<vmem>>, vector<16xf32>,
    %add3A_140 = arith.constant 128 : i32
    %add3A_141 = vector.broadcast %add3A_140 : i32 to vector<16xi32>
    %add3A_142 = arith.addi %add3A_141, %iota3A : vector<16xi32>
    %and3A_143 = arith.constant 127 : i32
    %and3A_144 = vector.broadcast %and3A_143 : i32 to vector<16xi32>
    %and3A_145 = arith.andi %add3A_142, %and3A_144 : vector<16xi32>
    %min3A_146 = arith.constant 119 : i32
    %min3A_147 = vector.broadcast %min3A_146 : i32 to vector<16xi32>
    %min3A_148 = arith.minsi %and3A_145, %min3A_147 : vector<16xi32>
    %shift_right_arithmetic3A_149 = arith.constant 7 : i32
    %shift_right_arithmetic3A_150 = vector.broadcast %shift_right_arithmetic3A_149 : i32 to vector<16xi32>
    %shift_right_arithmetic3A_151 = arith.shrsi %add3A_142, %shift_right_arithmetic3A_150 : vector<16xi32>
    %convert_element_type3A_152 = arith.sitofp %shift_right_arithmetic3A_151 : vector<16xi32> to vector<16xf32>
    %gather3A_153 = tpu.vector_load_idx %arg8[%min3A_148] : memref<120xf32, #tpu.memory_space<vmem>>[vector<16xi32>], vector<16xf32>,
    %mul3A_154 = arith.mulf %gather3A_153, %convert_element_type3A_152 : vector<16xf32>
    %swap3A_155 = arith.constant 128 : index
    %swap3A_156 = tpu.vector_load %arg9[%swap3A_155] {strides = array<i32>} : memref<256xf32, #tpu.memory_space<vmem>>, vector<16xf32>,
    tpu.vector_store %arg9[%swap3A_155], %mul3A_154 {strides = array<i32>} : memref<256xf32, #tpu.memory_space<vmem>>, vector<16xf32>,
    %add3A_157 = arith.constant 144 : i32
    %add3A_158 = vector.broadcast %add3A_157 : i32 to vector<16xi32>
    %add3A_159 = arith.addi %add3A_158, %iota3A : vector<16xi32>
    %and3A_160 = arith.constant 127 : i32
    %and3A_161 = vector.broadcast %and3A_160 : i32 to vector<16xi32>
    %and3A_162 = arith.andi %add3A_159, %and3A_161 : vector<16xi32>
    %min3A_163 = arith.constant 119 : i32
    %min3A_164 = vector.broadcast %min3A_163 : i32 to vector<16xi32>
    %min3A_165 = arith.minsi %and3A_162, %min3A_164 : vector<16xi32>
    %shift_right_arithmetic3A_166 = arith.constant 7 : i32
    %shift_right_arithmetic3A_167 = vector.broadcast %shift_right_arithmetic3A_166 : i32 to vector<16xi32>
    %shift_right_arithmetic3A_168 = arith.shrsi %add3A_159, %shift_right_arithmetic3A_167 : vector<16xi32>
    %convert_element_type3A_169 = arith.sitofp %shift_right_arithmetic3A_168 : vector<16xi32> to vector<16xf32>
    %gather3A_170 = tpu.vector_load_idx %arg8[%min3A_165] : memref<120xf32, #tpu.memory_space<vmem>>[vector<16xi32>], vector<16xf32>,
    %mul3A_171 = arith.mulf %gather3A_170, %convert_element_type3A_169 : vector<16xf32>
    %swap3A_172 = arith.constant 144 : index
    %swap3A_173 = tpu.vector_load %arg9[%swap3A_172] {strides = array<i32>} : memref<256xf32, #tpu.memory_space<vmem>>, vector<16xf32>,
    tpu.vector_store %arg9[%swap3A_172], %mul3A_171 {strides = array<i32>} : memref<256xf32, #tpu.memory_space<vmem>>, vector<16xf32>,
    %add3A_174 = arith.constant 160 : i32
    %add3A_175 = vector.broadcast %add3A_174 : i32 to vector<16xi32>
    %add3A_176 = arith.addi %add3A_175, %iota3A : vector<16xi32>
    %and3A_177 = arith.constant 127 : i32
    %and3A_178 = vector.broadcast %and3A_177 : i32 to vector<16xi32>
    %and3A_179 = arith.andi %add3A_176, %and3A_178 : vector<16xi32>
    %min3A_180 = arith.constant 119 : i32
    %min3A_181 = vector.broadcast %min3A_180 : i32 to vector<16xi32>
    %min3A_182 = arith.minsi %and3A_179, %min3A_181 : vector<16xi32>
    %shift_right_arithmetic3A_183 = arith.constant 7 : i32
    %shift_right_arithmetic3A_184 = vector.broadcast %shift_right_arithmetic3A_183 : i32 to vector<16xi32>
    %shift_right_arithmetic3A_185 = arith.shrsi %add3A_176, %shift_right_arithmetic3A_184 : vector<16xi32>
    %convert_element_type3A_186 = arith.sitofp %shift_right_arithmetic3A_185 : vector<16xi32> to vector<16xf32>
    %gather3A_187 = tpu.vector_load_idx %arg8[%min3A_182] : memref<120xf32, #tpu.memory_space<vmem>>[vector<16xi32>], vector<16xf32>,
    %mul3A_188 = arith.mulf %gather3A_187, %convert_element_type3A_186 : vector<16xf32>
    %swap3A_189 = arith.constant 160 : index
    %swap3A_190 = tpu.vector_load %arg9[%swap3A_189] {strides = array<i32>} : memref<256xf32, #tpu.memory_space<vmem>>, vector<16xf32>,
    tpu.vector_store %arg9[%swap3A_189], %mul3A_188 {strides = array<i32>} : memref<256xf32, #tpu.memory_space<vmem>>, vector<16xf32>,
    %add3A_191 = arith.constant 176 : i32
    %add3A_192 = vector.broadcast %add3A_191 : i32 to vector<16xi32>
    %add3A_193 = arith.addi %add3A_192, %iota3A : vector<16xi32>
    %and3A_194 = arith.constant 127 : i32
    %and3A_195 = vector.broadcast %and3A_194 : i32 to vector<16xi32>
    %and3A_196 = arith.andi %add3A_193, %and3A_195 : vector<16xi32>
    %min3A_197 = arith.constant 119 : i32
    %min3A_198 = vector.broadcast %min3A_197 : i32 to vector<16xi32>
    %min3A_199 = arith.minsi %and3A_196, %min3A_198 : vector<16xi32>
    %shift_right_arithmetic3A_200 = arith.constant 7 : i32
    %shift_right_arithmetic3A_201 = vector.broadcast %shift_right_arithmetic3A_200 : i32 to vector<16xi32>
    %shift_right_arithmetic3A_202 = arith.shrsi %add3A_193, %shift_right_arithmetic3A_201 : vector<16xi32>
    %convert_element_type3A_203 = arith.sitofp %shift_right_arithmetic3A_202 : vector<16xi32> to vector<16xf32>
    %gather3A_204 = tpu.vector_load_idx %arg8[%min3A_199] : memref<120xf32, #tpu.memory_space<vmem>>[vector<16xi32>], vector<16xf32>,
    %mul3A_205 = arith.mulf %gather3A_204, %convert_element_type3A_203 : vector<16xf32>
    %swap3A_206 = arith.constant 176 : index
    %swap3A_207 = tpu.vector_load %arg9[%swap3A_206] {strides = array<i32>} : memref<256xf32, #tpu.memory_space<vmem>>, vector<16xf32>,
    tpu.vector_store %arg9[%swap3A_206], %mul3A_205 {strides = array<i32>} : memref<256xf32, #tpu.memory_space<vmem>>, vector<16xf32>,
    %add3A_208 = arith.constant 192 : i32
    %add3A_209 = vector.broadcast %add3A_208 : i32 to vector<16xi32>
    %add3A_210 = arith.addi %add3A_209, %iota3A : vector<16xi32>
    %and3A_211 = arith.constant 127 : i32
    %and3A_212 = vector.broadcast %and3A_211 : i32 to vector<16xi32>
    %and3A_213 = arith.andi %add3A_210, %and3A_212 : vector<16xi32>
    %min3A_214 = arith.constant 119 : i32
    %min3A_215 = vector.broadcast %min3A_214 : i32 to vector<16xi32>
    %min3A_216 = arith.minsi %and3A_213, %min3A_215 : vector<16xi32>
    %shift_right_arithmetic3A_217 = arith.constant 7 : i32
    %shift_right_arithmetic3A_218 = vector.broadcast %shift_right_arithmetic3A_217 : i32 to vector<16xi32>
    %shift_right_arithmetic3A_219 = arith.shrsi %add3A_210, %shift_right_arithmetic3A_218 : vector<16xi32>
    %convert_element_type3A_220 = arith.sitofp %shift_right_arithmetic3A_219 : vector<16xi32> to vector<16xf32>
    %gather3A_221 = tpu.vector_load_idx %arg8[%min3A_216] : memref<120xf32, #tpu.memory_space<vmem>>[vector<16xi32>], vector<16xf32>,
    %mul3A_222 = arith.mulf %gather3A_221, %convert_element_type3A_220 : vector<16xf32>
    %swap3A_223 = arith.constant 192 : index
    %swap3A_224 = tpu.vector_load %arg9[%swap3A_223] {strides = array<i32>} : memref<256xf32, #tpu.memory_space<vmem>>, vector<16xf32>,
    tpu.vector_store %arg9[%swap3A_223], %mul3A_222 {strides = array<i32>} : memref<256xf32, #tpu.memory_space<vmem>>, vector<16xf32>,
    %add3A_225 = arith.constant 208 : i32
    %add3A_226 = vector.broadcast %add3A_225 : i32 to vector<16xi32>
    %add3A_227 = arith.addi %add3A_226, %iota3A : vector<16xi32>
    %and3A_228 = arith.constant 127 : i32
    %and3A_229 = vector.broadcast %and3A_228 : i32 to vector<16xi32>
    %and3A_230 = arith.andi %add3A_227, %and3A_229 : vector<16xi32>
    %min3A_231 = arith.constant 119 : i32
    %min3A_232 = vector.broadcast %min3A_231 : i32 to vector<16xi32>
    %min3A_233 = arith.minsi %and3A_230, %min3A_232 : vector<16xi32>
    %shift_right_arithmetic3A_234 = arith.constant 7 : i32
    %shift_right_arithmetic3A_235 = vector.broadcast %shift_right_arithmetic3A_234 : i32 to vector<16xi32>
    %shift_right_arithmetic3A_236 = arith.shrsi %add3A_227, %shift_right_arithmetic3A_235 : vector<16xi32>
    %convert_element_type3A_237 = arith.sitofp %shift_right_arithmetic3A_236 : vector<16xi32> to vector<16xf32>
    %gather3A_238 = tpu.vector_load_idx %arg8[%min3A_233] : memref<120xf32, #tpu.memory_space<vmem>>[vector<16xi32>], vector<16xf32>,
    %mul3A_239 = arith.mulf %gather3A_238, %convert_element_type3A_237 : vector<16xf32>
    %swap3A_240 = arith.constant 208 : index
    %swap3A_241 = tpu.vector_load %arg9[%swap3A_240] {strides = array<i32>} : memref<256xf32, #tpu.memory_space<vmem>>, vector<16xf32>,
    tpu.vector_store %arg9[%swap3A_240], %mul3A_239 {strides = array<i32>} : memref<256xf32, #tpu.memory_space<vmem>>, vector<16xf32>,
    %add3A_242 = arith.constant 224 : i32
    %add3A_243 = vector.broadcast %add3A_242 : i32 to vector<16xi32>
    %add3A_244 = arith.addi %add3A_243, %iota3A : vector<16xi32>
    %and3A_245 = arith.constant 127 : i32
    %and3A_246 = vector.broadcast %and3A_245 : i32 to vector<16xi32>
    %and3A_247 = arith.andi %add3A_244, %and3A_246 : vector<16xi32>
    %min3A_248 = arith.constant 119 : i32
    %min3A_249 = vector.broadcast %min3A_248 : i32 to vector<16xi32>
    %min3A_250 = arith.minsi %and3A_247, %min3A_249 : vector<16xi32>
    %shift_right_arithmetic3A_251 = arith.constant 7 : i32
    %shift_right_arithmetic3A_252 = vector.broadcast %shift_right_arithmetic3A_251 : i32 to vector<16xi32>
    %shift_right_arithmetic3A_253 = arith.shrsi %add3A_244, %shift_right_arithmetic3A_252 : vector<16xi32>
    %convert_element_type3A_254 = arith.sitofp %shift_right_arithmetic3A_253 : vector<16xi32> to vector<16xf32>
    %gather3A_255 = tpu.vector_load_idx %arg8[%min3A_250] : memref<120xf32, #tpu.memory_space<vmem>>[vector<16xi32>], vector<16xf32>,
    %mul3A_256 = arith.mulf %gather3A_255, %convert_element_type3A_254 : vector<16xf32>
    %swap3A_257 = arith.constant 224 : index
    %swap3A_258 = tpu.vector_load %arg9[%swap3A_257] {strides = array<i32>} : memref<256xf32, #tpu.memory_space<vmem>>, vector<16xf32>,
    tpu.vector_store %arg9[%swap3A_257], %mul3A_256 {strides = array<i32>} : memref<256xf32, #tpu.memory_space<vmem>>, vector<16xf32>,
    %add3A_259 = arith.constant 240 : i32
    %add3A_260 = vector.broadcast %add3A_259 : i32 to vector<16xi32>
    %add3A_261 = arith.addi %add3A_260, %iota3A : vector<16xi32>
    %and3A_262 = arith.constant 127 : i32
    %and3A_263 = vector.broadcast %and3A_262 : i32 to vector<16xi32>
    %and3A_264 = arith.andi %add3A_261, %and3A_263 : vector<16xi32>
    %min3A_265 = arith.constant 119 : i32
    %min3A_266 = vector.broadcast %min3A_265 : i32 to vector<16xi32>
    %min3A_267 = arith.minsi %and3A_264, %min3A_266 : vector<16xi32>
    %shift_right_arithmetic3A_268 = arith.constant 7 : i32
    %shift_right_arithmetic3A_269 = vector.broadcast %shift_right_arithmetic3A_268 : i32 to vector<16xi32>
    %shift_right_arithmetic3A_270 = arith.shrsi %add3A_261, %shift_right_arithmetic3A_269 : vector<16xi32>
    %convert_element_type3A_271 = arith.sitofp %shift_right_arithmetic3A_270 : vector<16xi32> to vector<16xf32>
    %gather3A_272 = tpu.vector_load_idx %arg8[%min3A_267] : memref<120xf32, #tpu.memory_space<vmem>>[vector<16xi32>], vector<16xf32>,
    %mul3A_273 = arith.mulf %gather3A_272, %convert_element_type3A_271 : vector<16xf32>
    %swap3A_274 = arith.constant 240 : index
    %swap3A_275 = tpu.vector_load %arg9[%swap3A_274] {strides = array<i32>} : memref<256xf32, #tpu.memory_space<vmem>>, vector<16xf32>,
    tpu.vector_store %arg9[%swap3A_274], %mul3A_273 {strides = array<i32>} : memref<256xf32, #tpu.memory_space<vmem>>, vector<16xf32>,
    %dma_wait3A = arith.constant 0 : i32
    %dma_wait3A_276 = tpu.memref_slice %arg2[%dma_wait3A, %mul3A_2] : memref<20x16384xi32, #tpu.memory_space<hbm>> -> memref<20x512xi32, #tpu.memory_space<hbm>>
    %dma_wait3A_277 = arith.constant 0 : i32
    %dma_wait3A_278 = tpu.memref_slice %arg2[%dma_wait3A_277, %mul3A_2] : memref<20x16384xi32, #tpu.memory_space<hbm>> -> memref<20x512xi32, #tpu.memory_space<hbm>>
    tpu.wait_dma2 semaphore(%arg11 : memref<!tpu.dma_semaphore, #tpu.memory_space<semaphore_mem>>) src(%dma_wait3A_278 : memref<20x512xi32, #tpu.memory_space<hbm>>) dst(%arg6 : memref<20x512xi32, #tpu.memory_space<vmem>>)
    %dma_wait3A_279 = arith.constant 0 : i32
    %dma_wait3A_280 = tpu.memref_slice %arg3[%dma_wait3A_279, %mul3A_2] : memref<20x16384xf32, #tpu.memory_space<hbm>> -> memref<20x512xf32, #tpu.memory_space<hbm>>
    %dma_wait3A_281 = arith.constant 0 : i32
    %dma_wait3A_282 = tpu.memref_slice %arg3[%dma_wait3A_281, %mul3A_2] : memref<20x16384xf32, #tpu.memory_space<hbm>> -> memref<20x512xf32, #tpu.memory_space<hbm>>
    tpu.wait_dma2 semaphore(%arg12 : memref<!tpu.dma_semaphore, #tpu.memory_space<semaphore_mem>>) src(%dma_wait3A_282 : memref<20x512xf32, #tpu.memory_space<hbm>>) dst(%arg7 : memref<20x512xf32, #tpu.memory_space<vmem>>)
    %broadcast_in_dim3A = arith.constant 0.000000e+00 : f32
    %broadcast_in_dim3A_283 = vector.broadcast %broadcast_in_dim3A : f32 to vector<16xf32>
    %scan3A = arith.constant 0 : i32
    %scan3A_284 = arith.constant 16 : i32
    %scan3A_285 = arith.addi %scan3A, %scan3A_284 : i32
    %scan3A_286 = arith.constant 1 : i32
    %scan3A_287:2 = scf.for %scan3A_303 = %scan3A to %scan3A_285 step %scan3A_286 iter_args(%scan3A_304 = %broadcast_in_dim3A_283, %scan3A_305 = %broadcast_in_dim3A_283) -> (vector<16xf32>, vector<16xf32>)  : i32 {
      %mul3A_306 = arith.constant 2 : i32
      %mul3A_307 = arith.muli %scan3A_303, %mul3A_306 : i32
      %add3A_308 = arith.constant 0 : i32
      %add3A_309 = arith.addi %mul3A_307, %add3A_308 : i32
      %mul3A_310 = arith.constant 16 : i32
      %mul3A_311 = arith.muli %add3A_309, %mul3A_310 : i32
      %broadcast_in_dim3A_312 = arith.constant 0.000000e+00 : f32
      %broadcast_in_dim3A_313 = vector.broadcast %broadcast_in_dim3A_312 : f32 to vector<16xf32>
      %broadcast_in_dim3A_314 = arith.constant 0.000000e+00 : f32
      %broadcast_in_dim3A_315 = vector.broadcast %broadcast_in_dim3A_314 : f32 to vector<16xf32>
      %broadcast_in_dim3A_316 = arith.constant 0.000000e+00 : f32
      %broadcast_in_dim3A_317 = vector.broadcast %broadcast_in_dim3A_316 : f32 to vector<16xf32>
      %broadcast_in_dim3A_318 = arith.constant 0.000000e+00 : f32
      %broadcast_in_dim3A_319 = vector.broadcast %broadcast_in_dim3A_318 : f32 to vector<16xf32>
      %get3A = arith.constant 0 : i32
      %get3A_320 = arith.index_cast %get3A : i32 to index
      %get3A_321 = arith.index_cast %mul3A_311 : i32 to index
      %get3A_322 = tpu.vector_load %arg6[%get3A_320, %get3A_321] {strides = array<i32>} : memref<20x512xi32, #tpu.memory_space<vmem>>, vector<16xi32>,
      %get3A_323 = arith.constant 0 : i32
      %get3A_324 = arith.index_cast %get3A_323 : i32 to index
      %get3A_325 = arith.index_cast %mul3A_311 : i32 to index
      %get3A_326 = tpu.vector_load %arg7[%get3A_324, %get3A_325] {strides = array<i32>} : memref<20x512xf32, #tpu.memory_space<vmem>>, vector<16xf32>,
      %gather3A_327 = tpu.vector_load_idx %arg9[%get3A_322] : memref<256xf32, #tpu.memory_space<vmem>>[vector<16xi32>], vector<16xf32>,
      %mul3A_328 = arith.mulf %get3A_326, %gather3A_327 : vector<16xf32>
      %add3A_329 = arith.addf %broadcast_in_dim3A_313, %mul3A_328 : vector<16xf32>
      %get3A_330 = arith.constant 1 : i32
      %get3A_331 = arith.index_cast %get3A_330 : i32 to index
      %get3A_332 = arith.index_cast %mul3A_311 : i32 to index
      %get3A_333 = tpu.vector_load %arg6[%get3A_331, %get3A_332] {strides = array<i32>} : memref<20x512xi32, #tpu.memory_space<vmem>>, vector<16xi32>,
      %get3A_334 = arith.constant 1 : i32
      %get3A_335 = arith.index_cast %get3A_334 : i32 to index
      %get3A_336 = arith.index_cast %mul3A_311 : i32 to index
      %get3A_337 = tpu.vector_load %arg7[%get3A_335, %get3A_336] {strides = array<i32>} : memref<20x512xf32, #tpu.memory_space<vmem>>, vector<16xf32>,
      %gather3A_338 = tpu.vector_load_idx %arg9[%get3A_333] : memref<256xf32, #tpu.memory_space<vmem>>[vector<16xi32>], vector<16xf32>,
      %mul3A_339 = arith.mulf %get3A_337, %gather3A_338 : vector<16xf32>
      %add3A_340 = arith.addf %broadcast_in_dim3A_315, %mul3A_339 : vector<16xf32>
      %get3A_341 = arith.constant 2 : i32
      %get3A_342 = arith.index_cast %get3A_341 : i32 to index
      %get3A_343 = arith.index_cast %mul3A_311 : i32 to index
      %get3A_344 = tpu.vector_load %arg6[%get3A_342, %get3A_343] {strides = array<i32>} : memref<20x512xi32, #tpu.memory_space<vmem>>, vector<16xi32>,
      %get3A_345 = arith.constant 2 : i32
      %get3A_346 = arith.index_cast %get3A_345 : i32 to index
      %get3A_347 = arith.index_cast %mul3A_311 : i32 to index
      %get3A_348 = tpu.vector_load %arg7[%get3A_346, %get3A_347] {strides = array<i32>} : memref<20x512xf32, #tpu.memory_space<vmem>>, vector<16xf32>,
      %gather3A_349 = tpu.vector_load_idx %arg9[%get3A_344] : memref<256xf32, #tpu.memory_space<vmem>>[vector<16xi32>], vector<16xf32>,
      %mul3A_350 = arith.mulf %get3A_348, %gather3A_349 : vector<16xf32>
      %add3A_351 = arith.addf %broadcast_in_dim3A_317, %mul3A_350 : vector<16xf32>
      %get3A_352 = arith.constant 3 : i32
      %get3A_353 = arith.index_cast %get3A_352 : i32 to index
      %get3A_354 = arith.index_cast %mul3A_311 : i32 to index
      %get3A_355 = tpu.vector_load %arg6[%get3A_353, %get3A_354] {strides = array<i32>} : memref<20x512xi32, #tpu.memory_space<vmem>>, vector<16xi32>,
      %get3A_356 = arith.constant 3 : i32
      %get3A_357 = arith.index_cast %get3A_356 : i32 to index
      %get3A_358 = arith.index_cast %mul3A_311 : i32 to index
      %get3A_359 = tpu.vector_load %arg7[%get3A_357, %get3A_358] {strides = array<i32>} : memref<20x512xf32, #tpu.memory_space<vmem>>, vector<16xf32>,
      %gather3A_360 = tpu.vector_load_idx %arg9[%get3A_355] : memref<256xf32, #tpu.memory_space<vmem>>[vector<16xi32>], vector<16xf32>,
      %mul3A_361 = arith.mulf %get3A_359, %gather3A_360 : vector<16xf32>
      %add3A_362 = arith.addf %broadcast_in_dim3A_319, %mul3A_361 : vector<16xf32>
      %get3A_363 = arith.constant 4 : i32
      %get3A_364 = arith.index_cast %get3A_363 : i32 to index
      %get3A_365 = arith.index_cast %mul3A_311 : i32 to index
      %get3A_366 = tpu.vector_load %arg6[%get3A_364, %get3A_365] {strides = array<i32>} : memref<20x512xi32, #tpu.memory_space<vmem>>, vector<16xi32>,
      %get3A_367 = arith.constant 4 : i32
      %get3A_368 = arith.index_cast %get3A_367 : i32 to index
      %get3A_369 = arith.index_cast %mul3A_311 : i32 to index
      %get3A_370 = tpu.vector_load %arg7[%get3A_368, %get3A_369] {strides = array<i32>} : memref<20x512xf32, #tpu.memory_space<vmem>>, vector<16xf32>,
      %gather3A_371 = tpu.vector_load_idx %arg9[%get3A_366] : memref<256xf32, #tpu.memory_space<vmem>>[vector<16xi32>], vector<16xf32>,
      %mul3A_372 = arith.mulf %get3A_370, %gather3A_371 : vector<16xf32>
      %add3A_373 = arith.addf %add3A_329, %mul3A_372 : vector<16xf32>
      %get3A_374 = arith.constant 5 : i32
      %get3A_375 = arith.index_cast %get3A_374 : i32 to index
      %get3A_376 = arith.index_cast %mul3A_311 : i32 to index
      %get3A_377 = tpu.vector_load %arg6[%get3A_375, %get3A_376] {strides = array<i32>} : memref<20x512xi32, #tpu.memory_space<vmem>>, vector<16xi32>,
      %get3A_378 = arith.constant 5 : i32
      %get3A_379 = arith.index_cast %get3A_378 : i32 to index
      %get3A_380 = arith.index_cast %mul3A_311 : i32 to index
      %get3A_381 = tpu.vector_load %arg7[%get3A_379, %get3A_380] {strides = array<i32>} : memref<20x512xf32, #tpu.memory_space<vmem>>, vector<16xf32>,
      %gather3A_382 = tpu.vector_load_idx %arg9[%get3A_377] : memref<256xf32, #tpu.memory_space<vmem>>[vector<16xi32>], vector<16xf32>,
      %mul3A_383 = arith.mulf %get3A_381, %gather3A_382 : vector<16xf32>
      %add3A_384 = arith.addf %add3A_340, %mul3A_383 : vector<16xf32>
      %get3A_385 = arith.constant 6 : i32
      %get3A_386 = arith.index_cast %get3A_385 : i32 to index
      %get3A_387 = arith.index_cast %mul3A_311 : i32 to index
      %get3A_388 = tpu.vector_load %arg6[%get3A_386, %get3A_387] {strides = array<i32>} : memref<20x512xi32, #tpu.memory_space<vmem>>, vector<16xi32>,
      %get3A_389 = arith.constant 6 : i32
      %get3A_390 = arith.index_cast %get3A_389 : i32 to index
      %get3A_391 = arith.index_cast %mul3A_311 : i32 to index
      %get3A_392 = tpu.vector_load %arg7[%get3A_390, %get3A_391] {strides = array<i32>} : memref<20x512xf32, #tpu.memory_space<vmem>>, vector<16xf32>,
      %gather3A_393 = tpu.vector_load_idx %arg9[%get3A_388] : memref<256xf32, #tpu.memory_space<vmem>>[vector<16xi32>], vector<16xf32>,
      %mul3A_394 = arith.mulf %get3A_392, %gather3A_393 : vector<16xf32>
      %add3A_395 = arith.addf %add3A_351, %mul3A_394 : vector<16xf32>
      %get3A_396 = arith.constant 7 : i32
      %get3A_397 = arith.index_cast %get3A_396 : i32 to index
      %get3A_398 = arith.index_cast %mul3A_311 : i32 to index
      %get3A_399 = tpu.vector_load %arg6[%get3A_397, %get3A_398] {strides = array<i32>} : memref<20x512xi32, #tpu.memory_space<vmem>>, vector<16xi32>,
      %get3A_400 = arith.constant 7 : i32
      %get3A_401 = arith.index_cast %get3A_400 : i32 to index
      %get3A_402 = arith.index_cast %mul3A_311 : i32 to index
      %get3A_403 = tpu.vector_load %arg7[%get3A_401, %get3A_402] {strides = array<i32>} : memref<20x512xf32, #tpu.memory_space<vmem>>, vector<16xf32>,
      %gather3A_404 = tpu.vector_load_idx %arg9[%get3A_399] : memref<256xf32, #tpu.memory_space<vmem>>[vector<16xi32>], vector<16xf32>,
      %mul3A_405 = arith.mulf %get3A_403, %gather3A_404 : vector<16xf32>
      %add3A_406 = arith.addf %add3A_362, %mul3A_405 : vector<16xf32>
      %get3A_407 = arith.constant 8 : i32
      %get3A_408 = arith.index_cast %get3A_407 : i32 to index
      %get3A_409 = arith.index_cast %mul3A_311 : i32 to index
      %get3A_410 = tpu.vector_load %arg6[%get3A_408, %get3A_409] {strides = array<i32>} : memref<20x512xi32, #tpu.memory_space<vmem>>, vector<16xi32>,
      %get3A_411 = arith.constant 8 : i32
      %get3A_412 = arith.index_cast %get3A_411 : i32 to index
      %get3A_413 = arith.index_cast %mul3A_311 : i32 to index
      %get3A_414 = tpu.vector_load %arg7[%get3A_412, %get3A_413] {strides = array<i32>} : memref<20x512xf32, #tpu.memory_space<vmem>>, vector<16xf32>,
      %gather3A_415 = tpu.vector_load_idx %arg9[%get3A_410] : memref<256xf32, #tpu.memory_space<vmem>>[vector<16xi32>], vector<16xf32>,
      %mul3A_416 = arith.mulf %get3A_414, %gather3A_415 : vector<16xf32>
      %add3A_417 = arith.addf %add3A_373, %mul3A_416 : vector<16xf32>
      %get3A_418 = arith.constant 9 : i32
      %get3A_419 = arith.index_cast %get3A_418 : i32 to index
      %get3A_420 = arith.index_cast %mul3A_311 : i32 to index
      %get3A_421 = tpu.vector_load %arg6[%get3A_419, %get3A_420] {strides = array<i32>} : memref<20x512xi32, #tpu.memory_space<vmem>>, vector<16xi32>,
      %get3A_422 = arith.constant 9 : i32
      %get3A_423 = arith.index_cast %get3A_422 : i32 to index
      %get3A_424 = arith.index_cast %mul3A_311 : i32 to index
      %get3A_425 = tpu.vector_load %arg7[%get3A_423, %get3A_424] {strides = array<i32>} : memref<20x512xf32, #tpu.memory_space<vmem>>, vector<16xf32>,
      %gather3A_426 = tpu.vector_load_idx %arg9[%get3A_421] : memref<256xf32, #tpu.memory_space<vmem>>[vector<16xi32>], vector<16xf32>,
      %mul3A_427 = arith.mulf %get3A_425, %gather3A_426 : vector<16xf32>
      %add3A_428 = arith.addf %add3A_384, %mul3A_427 : vector<16xf32>
      %get3A_429 = arith.constant 10 : i32
      %get3A_430 = arith.index_cast %get3A_429 : i32 to index
      %get3A_431 = arith.index_cast %mul3A_311 : i32 to index
      %get3A_432 = tpu.vector_load %arg6[%get3A_430, %get3A_431] {strides = array<i32>} : memref<20x512xi32, #tpu.memory_space<vmem>>, vector<16xi32>,
      %get3A_433 = arith.constant 10 : i32
      %get3A_434 = arith.index_cast %get3A_433 : i32 to index
      %get3A_435 = arith.index_cast %mul3A_311 : i32 to index
      %get3A_436 = tpu.vector_load %arg7[%get3A_434, %get3A_435] {strides = array<i32>} : memref<20x512xf32, #tpu.memory_space<vmem>>, vector<16xf32>,
      %gather3A_437 = tpu.vector_load_idx %arg9[%get3A_432] : memref<256xf32, #tpu.memory_space<vmem>>[vector<16xi32>], vector<16xf32>,
      %mul3A_438 = arith.mulf %get3A_436, %gather3A_437 : vector<16xf32>
      %add3A_439 = arith.addf %add3A_395, %mul3A_438 : vector<16xf32>
      %get3A_440 = arith.constant 11 : i32
      %get3A_441 = arith.index_cast %get3A_440 : i32 to index
      %get3A_442 = arith.index_cast %mul3A_311 : i32 to index
      %get3A_443 = tpu.vector_load %arg6[%get3A_441, %get3A_442] {strides = array<i32>} : memref<20x512xi32, #tpu.memory_space<vmem>>, vector<16xi32>,
      %get3A_444 = arith.constant 11 : i32
      %get3A_445 = arith.index_cast %get3A_444 : i32 to index
      %get3A_446 = arith.index_cast %mul3A_311 : i32 to index
      %get3A_447 = tpu.vector_load %arg7[%get3A_445, %get3A_446] {strides = array<i32>} : memref<20x512xf32, #tpu.memory_space<vmem>>, vector<16xf32>,
      %gather3A_448 = tpu.vector_load_idx %arg9[%get3A_443] : memref<256xf32, #tpu.memory_space<vmem>>[vector<16xi32>], vector<16xf32>,
      %mul3A_449 = arith.mulf %get3A_447, %gather3A_448 : vector<16xf32>
      %add3A_450 = arith.addf %add3A_406, %mul3A_449 : vector<16xf32>
      %get3A_451 = arith.constant 12 : i32
      %get3A_452 = arith.index_cast %get3A_451 : i32 to index
      %get3A_453 = arith.index_cast %mul3A_311 : i32 to index
      %get3A_454 = tpu.vector_load %arg6[%get3A_452, %get3A_453] {strides = array<i32>} : memref<20x512xi32, #tpu.memory_space<vmem>>, vector<16xi32>,
      %get3A_455 = arith.constant 12 : i32
      %get3A_456 = arith.index_cast %get3A_455 : i32 to index
      %get3A_457 = arith.index_cast %mul3A_311 : i32 to index
      %get3A_458 = tpu.vector_load %arg7[%get3A_456, %get3A_457] {strides = array<i32>} : memref<20x512xf32, #tpu.memory_space<vmem>>, vector<16xf32>,
      %gather3A_459 = tpu.vector_load_idx %arg9[%get3A_454] : memref<256xf32, #tpu.memory_space<vmem>>[vector<16xi32>], vector<16xf32>,
      %mul3A_460 = arith.mulf %get3A_458, %gather3A_459 : vector<16xf32>
      %add3A_461 = arith.addf %add3A_417, %mul3A_460 : vector<16xf32>
      %get3A_462 = arith.constant 13 : i32
      %get3A_463 = arith.index_cast %get3A_462 : i32 to index
      %get3A_464 = arith.index_cast %mul3A_311 : i32 to index
      %get3A_465 = tpu.vector_load %arg6[%get3A_463, %get3A_464] {strides = array<i32>} : memref<20x512xi32, #tpu.memory_space<vmem>>, vector<16xi32>,
      %get3A_466 = arith.constant 13 : i32
      %get3A_467 = arith.index_cast %get3A_466 : i32 to index
      %get3A_468 = arith.index_cast %mul3A_311 : i32 to index
      %get3A_469 = tpu.vector_load %arg7[%get3A_467, %get3A_468] {strides = array<i32>} : memref<20x512xf32, #tpu.memory_space<vmem>>, vector<16xf32>,
      %gather3A_470 = tpu.vector_load_idx %arg9[%get3A_465] : memref<256xf32, #tpu.memory_space<vmem>>[vector<16xi32>], vector<16xf32>,
      %mul3A_471 = arith.mulf %get3A_469, %gather3A_470 : vector<16xf32>
      %add3A_472 = arith.addf %add3A_428, %mul3A_471 : vector<16xf32>
      %get3A_473 = arith.constant 14 : i32
      %get3A_474 = arith.index_cast %get3A_473 : i32 to index
      %get3A_475 = arith.index_cast %mul3A_311 : i32 to index
      %get3A_476 = tpu.vector_load %arg6[%get3A_474, %get3A_475] {strides = array<i32>} : memref<20x512xi32, #tpu.memory_space<vmem>>, vector<16xi32>,
      %get3A_477 = arith.constant 14 : i32
      %get3A_478 = arith.index_cast %get3A_477 : i32 to index
      %get3A_479 = arith.index_cast %mul3A_311 : i32 to index
      %get3A_480 = tpu.vector_load %arg7[%get3A_478, %get3A_479] {strides = array<i32>} : memref<20x512xf32, #tpu.memory_space<vmem>>, vector<16xf32>,
      %gather3A_481 = tpu.vector_load_idx %arg9[%get3A_476] : memref<256xf32, #tpu.memory_space<vmem>>[vector<16xi32>], vector<16xf32>,
      %mul3A_482 = arith.mulf %get3A_480, %gather3A_481 : vector<16xf32>
      %add3A_483 = arith.addf %add3A_439, %mul3A_482 : vector<16xf32>
      %get3A_484 = arith.constant 15 : i32
      %get3A_485 = arith.index_cast %get3A_484 : i32 to index
      %get3A_486 = arith.index_cast %mul3A_311 : i32 to index
      %get3A_487 = tpu.vector_load %arg6[%get3A_485, %get3A_486] {strides = array<i32>} : memref<20x512xi32, #tpu.memory_space<vmem>>, vector<16xi32>,
      %get3A_488 = arith.constant 15 : i32
      %get3A_489 = arith.index_cast %get3A_488 : i32 to index
      %get3A_490 = arith.index_cast %mul3A_311 : i32 to index
      %get3A_491 = tpu.vector_load %arg7[%get3A_489, %get3A_490] {strides = array<i32>} : memref<20x512xf32, #tpu.memory_space<vmem>>, vector<16xf32>,
      %gather3A_492 = tpu.vector_load_idx %arg9[%get3A_487] : memref<256xf32, #tpu.memory_space<vmem>>[vector<16xi32>], vector<16xf32>,
      %mul3A_493 = arith.mulf %get3A_491, %gather3A_492 : vector<16xf32>
      %add3A_494 = arith.addf %add3A_450, %mul3A_493 : vector<16xf32>
      %get3A_495 = arith.constant 16 : i32
      %get3A_496 = arith.index_cast %get3A_495 : i32 to index
      %get3A_497 = arith.index_cast %mul3A_311 : i32 to index
      %get3A_498 = tpu.vector_load %arg6[%get3A_496, %get3A_497] {strides = array<i32>} : memref<20x512xi32, #tpu.memory_space<vmem>>, vector<16xi32>,
      %get3A_499 = arith.constant 16 : i32
      %get3A_500 = arith.index_cast %get3A_499 : i32 to index
      %get3A_501 = arith.index_cast %mul3A_311 : i32 to index
      %get3A_502 = tpu.vector_load %arg7[%get3A_500, %get3A_501] {strides = array<i32>} : memref<20x512xf32, #tpu.memory_space<vmem>>, vector<16xf32>,
      %gather3A_503 = tpu.vector_load_idx %arg9[%get3A_498] : memref<256xf32, #tpu.memory_space<vmem>>[vector<16xi32>], vector<16xf32>,
      %mul3A_504 = arith.mulf %get3A_502, %gather3A_503 : vector<16xf32>
      %add3A_505 = arith.addf %add3A_461, %mul3A_504 : vector<16xf32>
      %get3A_506 = arith.constant 17 : i32
      %get3A_507 = arith.index_cast %get3A_506 : i32 to index
      %get3A_508 = arith.index_cast %mul3A_311 : i32 to index
      %get3A_509 = tpu.vector_load %arg6[%get3A_507, %get3A_508] {strides = array<i32>} : memref<20x512xi32, #tpu.memory_space<vmem>>, vector<16xi32>,
      %get3A_510 = arith.constant 17 : i32
      %get3A_511 = arith.index_cast %get3A_510 : i32 to index
      %get3A_512 = arith.index_cast %mul3A_311 : i32 to index
      %get3A_513 = tpu.vector_load %arg7[%get3A_511, %get3A_512] {strides = array<i32>} : memref<20x512xf32, #tpu.memory_space<vmem>>, vector<16xf32>,
      %gather3A_514 = tpu.vector_load_idx %arg9[%get3A_509] : memref<256xf32, #tpu.memory_space<vmem>>[vector<16xi32>], vector<16xf32>,
      %mul3A_515 = arith.mulf %get3A_513, %gather3A_514 : vector<16xf32>
      %add3A_516 = arith.addf %add3A_472, %mul3A_515 : vector<16xf32>
      %get3A_517 = arith.constant 18 : i32
      %get3A_518 = arith.index_cast %get3A_517 : i32 to index
      %get3A_519 = arith.index_cast %mul3A_311 : i32 to index
      %get3A_520 = tpu.vector_load %arg6[%get3A_518, %get3A_519] {strides = array<i32>} : memref<20x512xi32, #tpu.memory_space<vmem>>, vector<16xi32>,
      %get3A_521 = arith.constant 18 : i32
      %get3A_522 = arith.index_cast %get3A_521 : i32 to index
      %get3A_523 = arith.index_cast %mul3A_311 : i32 to index
      %get3A_524 = tpu.vector_load %arg7[%get3A_522, %get3A_523] {strides = array<i32>} : memref<20x512xf32, #tpu.memory_space<vmem>>, vector<16xf32>,
      %gather3A_525 = tpu.vector_load_idx %arg9[%get3A_520] : memref<256xf32, #tpu.memory_space<vmem>>[vector<16xi32>], vector<16xf32>,
      %mul3A_526 = arith.mulf %get3A_524, %gather3A_525 : vector<16xf32>
      %add3A_527 = arith.addf %add3A_483, %mul3A_526 : vector<16xf32>
      %get3A_528 = arith.constant 19 : i32
      %get3A_529 = arith.index_cast %get3A_528 : i32 to index
      %get3A_530 = arith.index_cast %mul3A_311 : i32 to index
      %get3A_531 = tpu.vector_load %arg6[%get3A_529, %get3A_530] {strides = array<i32>} : memref<20x512xi32, #tpu.memory_space<vmem>>, vector<16xi32>,
      %get3A_532 = arith.constant 19 : i32
      %get3A_533 = arith.index_cast %get3A_532 : i32 to index
      %get3A_534 = arith.index_cast %mul3A_311 : i32 to index
      %get3A_535 = tpu.vector_load %arg7[%get3A_533, %get3A_534] {strides = array<i32>} : memref<20x512xf32, #tpu.memory_space<vmem>>, vector<16xf32>,
      %gather3A_536 = tpu.vector_load_idx %arg9[%get3A_531] : memref<256xf32, #tpu.memory_space<vmem>>[vector<16xi32>], vector<16xf32>,
      %mul3A_537 = arith.mulf %get3A_535, %gather3A_536 : vector<16xf32>
      %add3A_538 = arith.addf %add3A_494, %mul3A_537 : vector<16xf32>
      %add3A_539 = arith.addf %add3A_505, %add3A_516 : vector<16xf32>
      %add3A_540 = arith.addf %add3A_527, %add3A_538 : vector<16xf32>
      %add3A_541 = arith.addf %add3A_539, %add3A_540 : vector<16xf32>
      %abs3A = math.absf %add3A_541 : vector<16xf32>
      %sub3A = arith.constant 5.000000e-01 : f32
      %sub3A_542 = vector.broadcast %sub3A : f32 to vector<16xf32>
      %sub3A_543 = arith.subf %abs3A, %sub3A_542 : vector<16xf32>
      %max3A = arith.constant 0.000000e+00 : f32
      %max3A_544 = vector.broadcast %max3A : f32 to vector<16xf32>
      %max3A_545 = arith.maximumf %sub3A_543, %max3A_544 : vector<16xf32>
      %mul3A_546 = arith.constant 2.000000e+00 : f32
      %mul3A_547 = vector.broadcast %mul3A_546 : f32 to vector<16xf32>
      %mul3A_548 = arith.mulf %mul3A_547, %max3A_545 : vector<16xf32>
      %exp3A = math.exp %mul3A_548 : vector<16xf32>
      %add3A_549 = arith.constant 1.000000e+00 : f32
      %add3A_550 = vector.broadcast %add3A_549 : f32 to vector<16xf32>
      %add3A_551 = arith.addf %exp3A, %add3A_550 : vector<16xf32>
      %div3A = arith.constant 2.000000e+00 : f32
      %div3A_552 = vector.broadcast %div3A : f32 to vector<16xf32>
      %div3A_553 = arith.divf %div3A_552, %add3A_551 : vector<16xf32>
      %sub3A_554 = arith.constant 1.000000e+00 : f32
      %sub3A_555 = vector.broadcast %sub3A_554 : f32 to vector<16xf32>
      %sub3A_556 = arith.subf %sub3A_555, %div3A_553 : vector<16xf32>
      %mul3A_557 = arith.constant 2 : i32
      %mul3A_558 = arith.muli %scan3A_303, %mul3A_557 : i32
      %add3A_559 = arith.constant 1 : i32
      %add3A_560 = arith.addi %mul3A_558, %add3A_559 : i32
      %mul3A_561 = arith.constant 16 : i32
      %mul3A_562 = arith.muli %add3A_560, %mul3A_561 : i32
      %broadcast_in_dim3A_563 = arith.constant 0.000000e+00 : f32
      %broadcast_in_dim3A_564 = vector.broadcast %broadcast_in_dim3A_563 : f32 to vector<16xf32>
      %broadcast_in_dim3A_565 = arith.constant 0.000000e+00 : f32
      %broadcast_in_dim3A_566 = vector.broadcast %broadcast_in_dim3A_565 : f32 to vector<16xf32>
      %broadcast_in_dim3A_567 = arith.constant 0.000000e+00 : f32
      %broadcast_in_dim3A_568 = vector.broadcast %broadcast_in_dim3A_567 : f32 to vector<16xf32>
      %broadcast_in_dim3A_569 = arith.constant 0.000000e+00 : f32
      %broadcast_in_dim3A_570 = vector.broadcast %broadcast_in_dim3A_569 : f32 to vector<16xf32>
      %get3A_571 = arith.constant 0 : i32
      %get3A_572 = arith.index_cast %get3A_571 : i32 to index
      %get3A_573 = arith.index_cast %mul3A_562 : i32 to index
      %get3A_574 = tpu.vector_load %arg6[%get3A_572, %get3A_573] {strides = array<i32>} : memref<20x512xi32, #tpu.memory_space<vmem>>, vector<16xi32>,
      %get3A_575 = arith.constant 0 : i32
      %get3A_576 = arith.index_cast %get3A_575 : i32 to index
      %get3A_577 = arith.index_cast %mul3A_562 : i32 to index
      %get3A_578 = tpu.vector_load %arg7[%get3A_576, %get3A_577] {strides = array<i32>} : memref<20x512xf32, #tpu.memory_space<vmem>>, vector<16xf32>,
      %gather3A_579 = tpu.vector_load_idx %arg9[%get3A_574] : memref<256xf32, #tpu.memory_space<vmem>>[vector<16xi32>], vector<16xf32>,
      %mul3A_580 = arith.mulf %get3A_578, %gather3A_579 : vector<16xf32>
      %add3A_581 = arith.addf %broadcast_in_dim3A_564, %mul3A_580 : vector<16xf32>
      %get3A_582 = arith.constant 1 : i32
      %get3A_583 = arith.index_cast %get3A_582 : i32 to index
      %get3A_584 = arith.index_cast %mul3A_562 : i32 to index
      %get3A_585 = tpu.vector_load %arg6[%get3A_583, %get3A_584] {strides = array<i32>} : memref<20x512xi32, #tpu.memory_space<vmem>>, vector<16xi32>,
      %get3A_586 = arith.constant 1 : i32
      %get3A_587 = arith.index_cast %get3A_586 : i32 to index
      %get3A_588 = arith.index_cast %mul3A_562 : i32 to index
      %get3A_589 = tpu.vector_load %arg7[%get3A_587, %get3A_588] {strides = array<i32>} : memref<20x512xf32, #tpu.memory_space<vmem>>, vector<16xf32>,
      %gather3A_590 = tpu.vector_load_idx %arg9[%get3A_585] : memref<256xf32, #tpu.memory_space<vmem>>[vector<16xi32>], vector<16xf32>,
      %mul3A_591 = arith.mulf %get3A_589, %gather3A_590 : vector<16xf32>
      %add3A_592 = arith.addf %broadcast_in_dim3A_566, %mul3A_591 : vector<16xf32>
      %get3A_593 = arith.constant 2 : i32
      %get3A_594 = arith.index_cast %get3A_593 : i32 to index
      %get3A_595 = arith.index_cast %mul3A_562 : i32 to index
      %get3A_596 = tpu.vector_load %arg6[%get3A_594, %get3A_595] {strides = array<i32>} : memref<20x512xi32, #tpu.memory_space<vmem>>, vector<16xi32>,
      %get3A_597 = arith.constant 2 : i32
      %get3A_598 = arith.index_cast %get3A_597 : i32 to index
      %get3A_599 = arith.index_cast %mul3A_562 : i32 to index
      %get3A_600 = tpu.vector_load %arg7[%get3A_598, %get3A_599] {strides = array<i32>} : memref<20x512xf32, #tpu.memory_space<vmem>>, vector<16xf32>,
      %gather3A_601 = tpu.vector_load_idx %arg9[%get3A_596] : memref<256xf32, #tpu.memory_space<vmem>>[vector<16xi32>], vector<16xf32>,
      %mul3A_602 = arith.mulf %get3A_600, %gather3A_601 : vector<16xf32>
      %add3A_603 = arith.addf %broadcast_in_dim3A_568, %mul3A_602 : vector<16xf32>
      %get3A_604 = arith.constant 3 : i32
      %get3A_605 = arith.index_cast %get3A_604 : i32 to index
      %get3A_606 = arith.index_cast %mul3A_562 : i32 to index
      %get3A_607 = tpu.vector_load %arg6[%get3A_605, %get3A_606] {strides = array<i32>} : memref<20x512xi32, #tpu.memory_space<vmem>>, vector<16xi32>,
      %get3A_608 = arith.constant 3 : i32
      %get3A_609 = arith.index_cast %get3A_608 : i32 to index
      %get3A_610 = arith.index_cast %mul3A_562 : i32 to index
      %get3A_611 = tpu.vector_load %arg7[%get3A_609, %get3A_610] {strides = array<i32>} : memref<20x512xf32, #tpu.memory_space<vmem>>, vector<16xf32>,
      %gather3A_612 = tpu.vector_load_idx %arg9[%get3A_607] : memref<256xf32, #tpu.memory_space<vmem>>[vector<16xi32>], vector<16xf32>,
      %mul3A_613 = arith.mulf %get3A_611, %gather3A_612 : vector<16xf32>
      %add3A_614 = arith.addf %broadcast_in_dim3A_570, %mul3A_613 : vector<16xf32>
      %get3A_615 = arith.constant 4 : i32
      %get3A_616 = arith.index_cast %get3A_615 : i32 to index
      %get3A_617 = arith.index_cast %mul3A_562 : i32 to index
      %get3A_618 = tpu.vector_load %arg6[%get3A_616, %get3A_617] {strides = array<i32>} : memref<20x512xi32, #tpu.memory_space<vmem>>, vector<16xi32>,
      %get3A_619 = arith.constant 4 : i32
      %get3A_620 = arith.index_cast %get3A_619 : i32 to index
      %get3A_621 = arith.index_cast %mul3A_562 : i32 to index
      %get3A_622 = tpu.vector_load %arg7[%get3A_620, %get3A_621] {strides = array<i32>} : memref<20x512xf32, #tpu.memory_space<vmem>>, vector<16xf32>,
      %gather3A_623 = tpu.vector_load_idx %arg9[%get3A_618] : memref<256xf32, #tpu.memory_space<vmem>>[vector<16xi32>], vector<16xf32>,
      %mul3A_624 = arith.mulf %get3A_622, %gather3A_623 : vector<16xf32>
      %add3A_625 = arith.addf %add3A_581, %mul3A_624 : vector<16xf32>
      %get3A_626 = arith.constant 5 : i32
      %get3A_627 = arith.index_cast %get3A_626 : i32 to index
      %get3A_628 = arith.index_cast %mul3A_562 : i32 to index
      %get3A_629 = tpu.vector_load %arg6[%get3A_627, %get3A_628] {strides = array<i32>} : memref<20x512xi32, #tpu.memory_space<vmem>>, vector<16xi32>,
      %get3A_630 = arith.constant 5 : i32
      %get3A_631 = arith.index_cast %get3A_630 : i32 to index
      %get3A_632 = arith.index_cast %mul3A_562 : i32 to index
      %get3A_633 = tpu.vector_load %arg7[%get3A_631, %get3A_632] {strides = array<i32>} : memref<20x512xf32, #tpu.memory_space<vmem>>, vector<16xf32>,
      %gather3A_634 = tpu.vector_load_idx %arg9[%get3A_629] : memref<256xf32, #tpu.memory_space<vmem>>[vector<16xi32>], vector<16xf32>,
      %mul3A_635 = arith.mulf %get3A_633, %gather3A_634 : vector<16xf32>
      %add3A_636 = arith.addf %add3A_592, %mul3A_635 : vector<16xf32>
      %get3A_637 = arith.constant 6 : i32
      %get3A_638 = arith.index_cast %get3A_637 : i32 to index
      %get3A_639 = arith.index_cast %mul3A_562 : i32 to index
      %get3A_640 = tpu.vector_load %arg6[%get3A_638, %get3A_639] {strides = array<i32>} : memref<20x512xi32, #tpu.memory_space<vmem>>, vector<16xi32>,
      %get3A_641 = arith.constant 6 : i32
      %get3A_642 = arith.index_cast %get3A_641 : i32 to index
      %get3A_643 = arith.index_cast %mul3A_562 : i32 to index
      %get3A_644 = tpu.vector_load %arg7[%get3A_642, %get3A_643] {strides = array<i32>} : memref<20x512xf32, #tpu.memory_space<vmem>>, vector<16xf32>,
      %gather3A_645 = tpu.vector_load_idx %arg9[%get3A_640] : memref<256xf32, #tpu.memory_space<vmem>>[vector<16xi32>], vector<16xf32>,
      %mul3A_646 = arith.mulf %get3A_644, %gather3A_645 : vector<16xf32>
      %add3A_647 = arith.addf %add3A_603, %mul3A_646 : vector<16xf32>
      %get3A_648 = arith.constant 7 : i32
      %get3A_649 = arith.index_cast %get3A_648 : i32 to index
      %get3A_650 = arith.index_cast %mul3A_562 : i32 to index
      %get3A_651 = tpu.vector_load %arg6[%get3A_649, %get3A_650] {strides = array<i32>} : memref<20x512xi32, #tpu.memory_space<vmem>>, vector<16xi32>,
      %get3A_652 = arith.constant 7 : i32
      %get3A_653 = arith.index_cast %get3A_652 : i32 to index
      %get3A_654 = arith.index_cast %mul3A_562 : i32 to index
      %get3A_655 = tpu.vector_load %arg7[%get3A_653, %get3A_654] {strides = array<i32>} : memref<20x512xf32, #tpu.memory_space<vmem>>, vector<16xf32>,
      %gather3A_656 = tpu.vector_load_idx %arg9[%get3A_651] : memref<256xf32, #tpu.memory_space<vmem>>[vector<16xi32>], vector<16xf32>,
      %mul3A_657 = arith.mulf %get3A_655, %gather3A_656 : vector<16xf32>
      %add3A_658 = arith.addf %add3A_614, %mul3A_657 : vector<16xf32>
      %get3A_659 = arith.constant 8 : i32
      %get3A_660 = arith.index_cast %get3A_659 : i32 to index
      %get3A_661 = arith.index_cast %mul3A_562 : i32 to index
      %get3A_662 = tpu.vector_load %arg6[%get3A_660, %get3A_661] {strides = array<i32>} : memref<20x512xi32, #tpu.memory_space<vmem>>, vector<16xi32>,
      %get3A_663 = arith.constant 8 : i32
      %get3A_664 = arith.index_cast %get3A_663 : i32 to index
      %get3A_665 = arith.index_cast %mul3A_562 : i32 to index
      %get3A_666 = tpu.vector_load %arg7[%get3A_664, %get3A_665] {strides = array<i32>} : memref<20x512xf32, #tpu.memory_space<vmem>>, vector<16xf32>,
      %gather3A_667 = tpu.vector_load_idx %arg9[%get3A_662] : memref<256xf32, #tpu.memory_space<vmem>>[vector<16xi32>], vector<16xf32>,
      %mul3A_668 = arith.mulf %get3A_666, %gather3A_667 : vector<16xf32>
      %add3A_669 = arith.addf %add3A_625, %mul3A_668 : vector<16xf32>
      %get3A_670 = arith.constant 9 : i32
      %get3A_671 = arith.index_cast %get3A_670 : i32 to index
      %get3A_672 = arith.index_cast %mul3A_562 : i32 to index
      %get3A_673 = tpu.vector_load %arg6[%get3A_671, %get3A_672] {strides = array<i32>} : memref<20x512xi32, #tpu.memory_space<vmem>>, vector<16xi32>,
      %get3A_674 = arith.constant 9 : i32
      %get3A_675 = arith.index_cast %get3A_674 : i32 to index
      %get3A_676 = arith.index_cast %mul3A_562 : i32 to index
      %get3A_677 = tpu.vector_load %arg7[%get3A_675, %get3A_676] {strides = array<i32>} : memref<20x512xf32, #tpu.memory_space<vmem>>, vector<16xf32>,
      %gather3A_678 = tpu.vector_load_idx %arg9[%get3A_673] : memref<256xf32, #tpu.memory_space<vmem>>[vector<16xi32>], vector<16xf32>,
      %mul3A_679 = arith.mulf %get3A_677, %gather3A_678 : vector<16xf32>
      %add3A_680 = arith.addf %add3A_636, %mul3A_679 : vector<16xf32>
      %get3A_681 = arith.constant 10 : i32
      %get3A_682 = arith.index_cast %get3A_681 : i32 to index
      %get3A_683 = arith.index_cast %mul3A_562 : i32 to index
      %get3A_684 = tpu.vector_load %arg6[%get3A_682, %get3A_683] {strides = array<i32>} : memref<20x512xi32, #tpu.memory_space<vmem>>, vector<16xi32>,
      %get3A_685 = arith.constant 10 : i32
      %get3A_686 = arith.index_cast %get3A_685 : i32 to index
      %get3A_687 = arith.index_cast %mul3A_562 : i32 to index
      %get3A_688 = tpu.vector_load %arg7[%get3A_686, %get3A_687] {strides = array<i32>} : memref<20x512xf32, #tpu.memory_space<vmem>>, vector<16xf32>,
      %gather3A_689 = tpu.vector_load_idx %arg9[%get3A_684] : memref<256xf32, #tpu.memory_space<vmem>>[vector<16xi32>], vector<16xf32>,
      %mul3A_690 = arith.mulf %get3A_688, %gather3A_689 : vector<16xf32>
      %add3A_691 = arith.addf %add3A_647, %mul3A_690 : vector<16xf32>
      %get3A_692 = arith.constant 11 : i32
      %get3A_693 = arith.index_cast %get3A_692 : i32 to index
      %get3A_694 = arith.index_cast %mul3A_562 : i32 to index
      %get3A_695 = tpu.vector_load %arg6[%get3A_693, %get3A_694] {strides = array<i32>} : memref<20x512xi32, #tpu.memory_space<vmem>>, vector<16xi32>,
      %get3A_696 = arith.constant 11 : i32
      %get3A_697 = arith.index_cast %get3A_696 : i32 to index
      %get3A_698 = arith.index_cast %mul3A_562 : i32 to index
      %get3A_699 = tpu.vector_load %arg7[%get3A_697, %get3A_698] {strides = array<i32>} : memref<20x512xf32, #tpu.memory_space<vmem>>, vector<16xf32>,
      %gather3A_700 = tpu.vector_load_idx %arg9[%get3A_695] : memref<256xf32, #tpu.memory_space<vmem>>[vector<16xi32>], vector<16xf32>,
      %mul3A_701 = arith.mulf %get3A_699, %gather3A_700 : vector<16xf32>
      %add3A_702 = arith.addf %add3A_658, %mul3A_701 : vector<16xf32>
      %get3A_703 = arith.constant 12 : i32
      %get3A_704 = arith.index_cast %get3A_703 : i32 to index
      %get3A_705 = arith.index_cast %mul3A_562 : i32 to index
      %get3A_706 = tpu.vector_load %arg6[%get3A_704, %get3A_705] {strides = array<i32>} : memref<20x512xi32, #tpu.memory_space<vmem>>, vector<16xi32>,
      %get3A_707 = arith.constant 12 : i32
      %get3A_708 = arith.index_cast %get3A_707 : i32 to index
      %get3A_709 = arith.index_cast %mul3A_562 : i32 to index
      %get3A_710 = tpu.vector_load %arg7[%get3A_708, %get3A_709] {strides = array<i32>} : memref<20x512xf32, #tpu.memory_space<vmem>>, vector<16xf32>,
      %gather3A_711 = tpu.vector_load_idx %arg9[%get3A_706] : memref<256xf32, #tpu.memory_space<vmem>>[vector<16xi32>], vector<16xf32>,
      %mul3A_712 = arith.mulf %get3A_710, %gather3A_711 : vector<16xf32>
      %add3A_713 = arith.addf %add3A_669, %mul3A_712 : vector<16xf32>
      %get3A_714 = arith.constant 13 : i32
      %get3A_715 = arith.index_cast %get3A_714 : i32 to index
      %get3A_716 = arith.index_cast %mul3A_562 : i32 to index
      %get3A_717 = tpu.vector_load %arg6[%get3A_715, %get3A_716] {strides = array<i32>} : memref<20x512xi32, #tpu.memory_space<vmem>>, vector<16xi32>,
      %get3A_718 = arith.constant 13 : i32
      %get3A_719 = arith.index_cast %get3A_718 : i32 to index
      %get3A_720 = arith.index_cast %mul3A_562 : i32 to index
      %get3A_721 = tpu.vector_load %arg7[%get3A_719, %get3A_720] {strides = array<i32>} : memref<20x512xf32, #tpu.memory_space<vmem>>, vector<16xf32>,
      %gather3A_722 = tpu.vector_load_idx %arg9[%get3A_717] : memref<256xf32, #tpu.memory_space<vmem>>[vector<16xi32>], vector<16xf32>,
      %mul3A_723 = arith.mulf %get3A_721, %gather3A_722 : vector<16xf32>
      %add3A_724 = arith.addf %add3A_680, %mul3A_723 : vector<16xf32>
      %get3A_725 = arith.constant 14 : i32
      %get3A_726 = arith.index_cast %get3A_725 : i32 to index
      %get3A_727 = arith.index_cast %mul3A_562 : i32 to index
      %get3A_728 = tpu.vector_load %arg6[%get3A_726, %get3A_727] {strides = array<i32>} : memref<20x512xi32, #tpu.memory_space<vmem>>, vector<16xi32>,
      %get3A_729 = arith.constant 14 : i32
      %get3A_730 = arith.index_cast %get3A_729 : i32 to index
      %get3A_731 = arith.index_cast %mul3A_562 : i32 to index
      %get3A_732 = tpu.vector_load %arg7[%get3A_730, %get3A_731] {strides = array<i32>} : memref<20x512xf32, #tpu.memory_space<vmem>>, vector<16xf32>,
      %gather3A_733 = tpu.vector_load_idx %arg9[%get3A_728] : memref<256xf32, #tpu.memory_space<vmem>>[vector<16xi32>], vector<16xf32>,
      %mul3A_734 = arith.mulf %get3A_732, %gather3A_733 : vector<16xf32>
      %add3A_735 = arith.addf %add3A_691, %mul3A_734 : vector<16xf32>
      %get3A_736 = arith.constant 15 : i32
      %get3A_737 = arith.index_cast %get3A_736 : i32 to index
      %get3A_738 = arith.index_cast %mul3A_562 : i32 to index
      %get3A_739 = tpu.vector_load %arg6[%get3A_737, %get3A_738] {strides = array<i32>} : memref<20x512xi32, #tpu.memory_space<vmem>>, vector<16xi32>,
      %get3A_740 = arith.constant 15 : i32
      %get3A_741 = arith.index_cast %get3A_740 : i32 to index
      %get3A_742 = arith.index_cast %mul3A_562 : i32 to index
      %get3A_743 = tpu.vector_load %arg7[%get3A_741, %get3A_742] {strides = array<i32>} : memref<20x512xf32, #tpu.memory_space<vmem>>, vector<16xf32>,
      %gather3A_744 = tpu.vector_load_idx %arg9[%get3A_739] : memref<256xf32, #tpu.memory_space<vmem>>[vector<16xi32>], vector<16xf32>,
      %mul3A_745 = arith.mulf %get3A_743, %gather3A_744 : vector<16xf32>
      %add3A_746 = arith.addf %add3A_702, %mul3A_745 : vector<16xf32>
      %get3A_747 = arith.constant 16 : i32
      %get3A_748 = arith.index_cast %get3A_747 : i32 to index
      %get3A_749 = arith.index_cast %mul3A_562 : i32 to index
      %get3A_750 = tpu.vector_load %arg6[%get3A_748, %get3A_749] {strides = array<i32>} : memref<20x512xi32, #tpu.memory_space<vmem>>, vector<16xi32>,
      %get3A_751 = arith.constant 16 : i32
      %get3A_752 = arith.index_cast %get3A_751 : i32 to index
      %get3A_753 = arith.index_cast %mul3A_562 : i32 to index
      %get3A_754 = tpu.vector_load %arg7[%get3A_752, %get3A_753] {strides = array<i32>} : memref<20x512xf32, #tpu.memory_space<vmem>>, vector<16xf32>,
      %gather3A_755 = tpu.vector_load_idx %arg9[%get3A_750] : memref<256xf32, #tpu.memory_space<vmem>>[vector<16xi32>], vector<16xf32>,
      %mul3A_756 = arith.mulf %get3A_754, %gather3A_755 : vector<16xf32>
      %add3A_757 = arith.addf %add3A_713, %mul3A_756 : vector<16xf32>
      %get3A_758 = arith.constant 17 : i32
      %get3A_759 = arith.index_cast %get3A_758 : i32 to index
      %get3A_760 = arith.index_cast %mul3A_562 : i32 to index
      %get3A_761 = tpu.vector_load %arg6[%get3A_759, %get3A_760] {strides = array<i32>} : memref<20x512xi32, #tpu.memory_space<vmem>>, vector<16xi32>,
      %get3A_762 = arith.constant 17 : i32
      %get3A_763 = arith.index_cast %get3A_762 : i32 to index
      %get3A_764 = arith.index_cast %mul3A_562 : i32 to index
      %get3A_765 = tpu.vector_load %arg7[%get3A_763, %get3A_764] {strides = array<i32>} : memref<20x512xf32, #tpu.memory_space<vmem>>, vector<16xf32>,
      %gather3A_766 = tpu.vector_load_idx %arg9[%get3A_761] : memref<256xf32, #tpu.memory_space<vmem>>[vector<16xi32>], vector<16xf32>,
      %mul3A_767 = arith.mulf %get3A_765, %gather3A_766 : vector<16xf32>
      %add3A_768 = arith.addf %add3A_724, %mul3A_767 : vector<16xf32>
      %get3A_769 = arith.constant 18 : i32
      %get3A_770 = arith.index_cast %get3A_769 : i32 to index
      %get3A_771 = arith.index_cast %mul3A_562 : i32 to index
      %get3A_772 = tpu.vector_load %arg6[%get3A_770, %get3A_771] {strides = array<i32>} : memref<20x512xi32, #tpu.memory_space<vmem>>, vector<16xi32>,
      %get3A_773 = arith.constant 18 : i32
      %get3A_774 = arith.index_cast %get3A_773 : i32 to index
      %get3A_775 = arith.index_cast %mul3A_562 : i32 to index
      %get3A_776 = tpu.vector_load %arg7[%get3A_774, %get3A_775] {strides = array<i32>} : memref<20x512xf32, #tpu.memory_space<vmem>>, vector<16xf32>,
      %gather3A_777 = tpu.vector_load_idx %arg9[%get3A_772] : memref<256xf32, #tpu.memory_space<vmem>>[vector<16xi32>], vector<16xf32>,
      %mul3A_778 = arith.mulf %get3A_776, %gather3A_777 : vector<16xf32>
      %add3A_779 = arith.addf %add3A_735, %mul3A_778 : vector<16xf32>
      %get3A_780 = arith.constant 19 : i32
      %get3A_781 = arith.index_cast %get3A_780 : i32 to index
      %get3A_782 = arith.index_cast %mul3A_562 : i32 to index
      %get3A_783 = tpu.vector_load %arg6[%get3A_781, %get3A_782] {strides = array<i32>} : memref<20x512xi32, #tpu.memory_space<vmem>>, vector<16xi32>,
      %get3A_784 = arith.constant 19 : i32
      %get3A_785 = arith.index_cast %get3A_784 : i32 to index
      %get3A_786 = arith.index_cast %mul3A_562 : i32 to index
      %get3A_787 = tpu.vector_load %arg7[%get3A_785, %get3A_786] {strides = array<i32>} : memref<20x512xf32, #tpu.memory_space<vmem>>, vector<16xf32>,
      %gather3A_788 = tpu.vector_load_idx %arg9[%get3A_783] : memref<256xf32, #tpu.memory_space<vmem>>[vector<16xi32>], vector<16xf32>,
      %mul3A_789 = arith.mulf %get3A_787, %gather3A_788 : vector<16xf32>
      %add3A_790 = arith.addf %add3A_746, %mul3A_789 : vector<16xf32>
      %add3A_791 = arith.addf %add3A_757, %add3A_768 : vector<16xf32>
      %add3A_792 = arith.addf %add3A_779, %add3A_790 : vector<16xf32>
      %add3A_793 = arith.addf %add3A_791, %add3A_792 : vector<16xf32>
      %abs3A_794 = math.absf %add3A_793 : vector<16xf32>
      %sub3A_795 = arith.constant 5.000000e-01 : f32
      %sub3A_796 = vector.broadcast %sub3A_795 : f32 to vector<16xf32>
      %sub3A_797 = arith.subf %abs3A_794, %sub3A_796 : vector<16xf32>
      %max3A_798 = arith.constant 0.000000e+00 : f32
      %max3A_799 = vector.broadcast %max3A_798 : f32 to vector<16xf32>
      %max3A_800 = arith.maximumf %sub3A_797, %max3A_799 : vector<16xf32>
      %mul3A_801 = arith.constant 2.000000e+00 : f32
      %mul3A_802 = vector.broadcast %mul3A_801 : f32 to vector<16xf32>
      %mul3A_803 = arith.mulf %mul3A_802, %max3A_800 : vector<16xf32>
      %exp3A_804 = math.exp %mul3A_803 : vector<16xf32>
      %add3A_805 = arith.constant 1.000000e+00 : f32
      %add3A_806 = vector.broadcast %add3A_805 : f32 to vector<16xf32>
      %add3A_807 = arith.addf %exp3A_804, %add3A_806 : vector<16xf32>
      %div3A_808 = arith.constant 2.000000e+00 : f32
      %div3A_809 = vector.broadcast %div3A_808 : f32 to vector<16xf32>
      %div3A_810 = arith.divf %div3A_809, %add3A_807 : vector<16xf32>
      %sub3A_811 = arith.constant 1.000000e+00 : f32
      %sub3A_812 = vector.broadcast %sub3A_811 : f32 to vector<16xf32>
      %sub3A_813 = arith.subf %sub3A_812, %div3A_810 : vector<16xf32>
      %add3A_814 = arith.addf %scan3A_304, %sub3A_556 : vector<16xf32>
      %add3A_815 = arith.addf %add3A_814, %sub3A_813 : vector<16xf32>
      %add3A_816 = arith.addf %scan3A_305, %abs3A : vector<16xf32>
      %add3A_817 = arith.addf %add3A_816, %abs3A_794 : vector<16xf32>
      scf.yield %add3A_815, %add3A_817 : vector<16xf32>, vector<16xf32>
    }
    %scan3A_288 = arith.constant 16 : i32
    %mul3A_289 = arith.constant 6.10351563E-5 : f32
    %mul3A_290 = vector.broadcast %mul3A_289 : f32 to vector<16xf32>
    %mul3A_291 = arith.mulf %scan3A_287#0, %mul3A_290 : vector<16xf32>
    %swap3A_292 = arith.constant 0 : i32
    %swap3A_293 = arith.index_cast %swap3A_292 : i32 to index
    %swap3A_294 = arith.constant 0 : index
    %swap3A_295 = tpu.vector_load %arg10[%swap3A_293, %swap3A_294] {strides = array<i32>} : memref<2x16xf32, #tpu.memory_space<vmem>>, vector<16xf32>,
    tpu.vector_store %arg10[%swap3A_293, %swap3A_294], %mul3A_291 {strides = array<i32>} : memref<2x16xf32, #tpu.memory_space<vmem>>, vector<16xf32>,
    %mul3A_296 = arith.constant 6.10351563E-5 : f32
    %mul3A_297 = vector.broadcast %mul3A_296 : f32 to vector<16xf32>
    %mul3A_298 = arith.mulf %scan3A_287#1, %mul3A_297 : vector<16xf32>
    %swap3A_299 = arith.constant 1 : i32
    %swap3A_300 = arith.index_cast %swap3A_299 : i32 to index
    %swap3A_301 = arith.constant 0 : index
    %swap3A_302 = tpu.vector_load %arg10[%swap3A_300, %swap3A_301] {strides = array<i32>} : memref<2x16xf32, #tpu.memory_space<vmem>>, vector<16xf32>,
    tpu.vector_store %arg10[%swap3A_300, %swap3A_301], %mul3A_298 {strides = array<i32>} : memref<2x16xf32, #tpu.memory_space<vmem>>, vector<16xf32>,
    "tpu.region"() ({
      %run_scoped3A = tpu.sem_alloc : memref<!tpu.dma_semaphore, #tpu.memory_space<semaphore_mem>>
      %dma_start3A_303 = arith.constant 0 : i32
      %dma_start3A_304 = arith.constant 0 : i32
      %dma_start3A_305 = tpu.memref_slice %arg5[%add3A, %dma_start3A_303, %dma_start3A_304] : memref<32x2x16xf32, #tpu.memory_space<hbm>> -> memref<1x2x16xf32, #tpu.memory_space<hbm>>
      %dma_start3A_306 = tpu.memref_squeeze %dma_start3A_305 : memref<1x2x16xf32, #tpu.memory_space<hbm>> -> memref<2x16xf32, #tpu.memory_space<hbm>>
      %dma_start3A_307 = arith.constant 0 : i32
      %dma_start3A_308 = arith.constant 0 : i32
      %dma_start3A_309 = tpu.memref_slice %arg5[%add3A, %dma_start3A_307, %dma_start3A_308] : memref<32x2x16xf32, #tpu.memory_space<hbm>> -> memref<1x2x16xf32, #tpu.memory_space<hbm>>
      %dma_start3A_310 = tpu.memref_squeeze %dma_start3A_309 : memref<1x2x16xf32, #tpu.memory_space<hbm>> -> memref<2x16xf32, #tpu.memory_space<hbm>>
      tpu.enqueue_dma source(%arg10 : memref<2x16xf32, #tpu.memory_space<vmem>>) target(%dma_start3A_310 : memref<2x16xf32, #tpu.memory_space<hbm>>) target_semaphore(%run_scoped3A : memref<!tpu.dma_semaphore, #tpu.memory_space<semaphore_mem>>)
      %dma_wait3A_311 = arith.constant 0 : i32
      %dma_wait3A_312 = arith.constant 0 : i32
      %dma_wait3A_313 = tpu.memref_slice %arg5[%add3A, %dma_wait3A_311, %dma_wait3A_312] : memref<32x2x16xf32, #tpu.memory_space<hbm>> -> memref<1x2x16xf32, #tpu.memory_space<hbm>>
      %dma_wait3A_314 = tpu.memref_squeeze %dma_wait3A_313 : memref<1x2x16xf32, #tpu.memory_space<hbm>> -> memref<2x16xf32, #tpu.memory_space<hbm>>
      %dma_wait3A_315 = arith.constant 0 : i32
      %dma_wait3A_316 = arith.constant 0 : i32
      %dma_wait3A_317 = tpu.memref_slice %arg5[%add3A, %dma_wait3A_315, %dma_wait3A_316] : memref<32x2x16xf32, #tpu.memory_space<hbm>> -> memref<1x2x16xf32, #tpu.memory_space<hbm>>
      %dma_wait3A_318 = tpu.memref_squeeze %dma_wait3A_317 : memref<1x2x16xf32, #tpu.memory_space<hbm>> -> memref<2x16xf32, #tpu.memory_space<hbm>>
      tpu.wait_dma2 semaphore(%run_scoped3A : memref<!tpu.dma_semaphore, #tpu.memory_space<semaphore_mem>>) src(%arg10 : memref<2x16xf32, #tpu.memory_space<vmem>>) dst(%dma_wait3A_318 : memref<2x16xf32, #tpu.memory_space<hbm>>)
      tpu.yield
    }) : () -> ()
    return
  }
}

</mosaic_0001>

<sc_bundles>
// kernel: kernel.3.cloned.1.call-start
scs
__scs_entry_jumppad:
0x0: {  	(pc) =	sbr.rel $0x88, $3  }
0x1: {  	(tag) =	ssettag $0x0;
	lr =	simm.s32 $0x1  }
0x2: {  	[smem:$0x3F9D] =	sst lr;
	_ =	strace $0xD0000000  }
0x3: {  	_ = 	snop  }
0x4: {  	_ = 	snop  }
0x5: {  	_ = 	snop  }
0x6: {  	_ = 	snop  }
0x7: {  	_ = 	snop  }
__scs_overlays_trampoline_lowered:
0x8: {  	[smem:$0x3FAC] =	sst s0  }
0x9: {  	[smem:$0x3FAD] =	sst s1  }
0xa: {  	[smem:$0x3FAE] =	sst s2  }
0xb: {  	[smem:$0x3FAF] =	sst s3  }
0xc: {  	[smem:$0x3FB0] =	sst s4  }
0xd: {  	[smem:$0x3FB1] =	sst s5  }
0xe: {  	[smem:$0x3FB2] =	sst s6  }
0xf: {  	[smem:$0x3FB3] =	sst s7  }
0x10: {  	[smem:$0x3FB4] =	sst s8  }
0x11: {  	[smem:$0x3FB5] =	sst s9;
	s0 =	simm.s32 @!p0 $0x0  }
0x12: {  	s1 =	sld [smem:$0x3F9B];
	s0 =	simm.s32 @p0 $0x1  }
0x13: {  	[smem:$0x3FB6] =	sst s0;
	s0 =	simm.s32 @!p1 $0x0  }
0x14: {  	s2 =	sld [smem:$0x3F9A];
	s0 =	simm.s32 @p1 $0x1  }
0x15: {  	[smem:$0x3FB7] =	sst s0;
	s0 =	simm.s32 @!p2 $0x0  }
0x16: {  	s3 =	sld [smem:$0x3FDB];
	s0 =	simm.s32 @p2 $0x1  }
0x17: {  	s4 =	simm.s32 $0x1BF5;
	[smem:$0x3FB9] =	sst s0  }
0x18: {  	s0 =	sld [smem:$0x3F9C];
	_ =	swait.ge [sflag:s4], $0x0  }
0x19: {  	s7 =	sld [smem:$0x3F9D]  }
0x1a: {  	s8 =	sadd.s32 $0xFFFFE003, lr  }
0x1b: {  	s9 =	sadd.s32 $0xFFFFFEF7, lr;
	s5 =	simm.s32 $0xFFFFFFFF;
	p2 =	slt.u32 s8, $0xFFFFF086  }
0x1c: {  	p1 =	slt.u32 s9, $0xF7A;
	s5 =	simm.s32 @!p2 $0x0  }
0x1d: {  	s5 =	simm.s32 @p1 $0x1;
	p0 =	seq.s32 s7, s2  }
0x1e: {  	s7 =	smul.u32 @!p0 $0xF7A, s2;
	p2 =	seq.s32 @!p0 s5, $0x0  }
0x1f: {  	s9 =	smul.u32 $0xF7A, s1;
	s8 =	simm.s32 @!p0 $0x1BF5;
	p2 =	por !p2, p0  }
0x20: {  	[sflag:s8] =	ssyncset.s32 @!p0 $0xFFFFF086;
	s6 =	sadd.s32 @!p0 s3, s7;
	s7 =	simm.s32 @!p0 $0x108  }
0x21: {  	s3 =	sadd.s32 s3, s9;
	s6 =	sadd.s32 @!p0 $0x88, s6;
	s7 =	simm.s32 @p2 $0x1082  }
0x22: {  	[simem:s7], [sflag:s8] =	dma.local @!p0 [hbm:s6], $0xF7A  }
0x23: {  	s9 =	sor.u32 $0xD0000000, s2;
	s6 =	simm.s32 $0x108;
	_ =	swait.ge @!p0 [sflag:s8], $0x0  }
0x24: {  	s3 =	sadd.s32 $0x88, s3;
	s6 =	simm.s32 @!p1 $0x1082;
	[sflag:s4] =	ssyncset.s32 $0xFFFFF086  }
0x25: {  	[simem:s6], [sflag:s4] =	dma.local [hbm:s3], $0xF7A  }
0x26: {  	[smem:$0x3F9D] =	sst s1;
	(tag) =	ssettag s2;
	_ =	strace s9  }
0x27: {  	s1 =	sld [smem:$0x3FAD]  }
0x28: {  	s2 =	sld [smem:$0x3FAE]  }
0x29: {  	s4 =	sld [smem:$0x3FB0]  }
0x2a: {  	p0 =	seq.s32 s5, $0x0;
	s5 =	sld [smem:$0x3FB1]  }
0x2b: {  	s6 =	sld [smem:$0x3FB2]  }
0x2c: {  	s7 =	sld [smem:$0x3FB3]  }
0x2d: {  	s3 =	simm.s32 $0x108;
	s8 =	sld [smem:$0x3FB4]  }
0x2e: {  	s3 =	simm.s32 @!p0 $0x1082;
	s9 =	sld [smem:$0x3FB5]  }
0x2f: {  	lr =	sadd.s32 s0, s3;
	s0 =	sld [smem:$0x3FAC]  }
0x30: {  	s3 =	sld [smem:$0x3FAF]  }
0x31: {  	[smem:$0x3FB8] =	sst s10  }
0x32: {  	s10 =	sld [smem:$0x3FB6];
	_ =	sdelay $0x3  }
0x33: {  	p0 =	seq.s32 s10, $0x1;
	s10 =	sld [smem:$0x3FB8];
	_ =	sdelay $0x3  }
0x34: {  	[smem:$0x3FB8] =	sst s10  }
0x35: {  	s10 =	sld [smem:$0x3FB7];
	_ =	sdelay $0x3  }
0x36: {  	p1 =	seq.s32 s10, $0x1;
	s10 =	sld [smem:$0x3FB8];
	_ =	sdelay $0x3  }
0x37: {  	[smem:$0x3FB8] =	sst s10  }
0x38: {  	s10 =	sld [smem:$0x3FB9]  }
0x39: {  	_ = 	snop;
	(pc) =	sbr.ind lr, $3  }
0x3a: {  	_ = 	snop  }
0x3b: {  	_ = 	snop  }
0x3c: {  	p2 =	seq.s32 s10, $0x1;
	s10 =	sld [smem:$0x3FB8]  }
0x3d: {  	_ =	shalt  }
0x3e: {  	_ =	shalt  }
0x3f: {  	_ =	shalt  }
0x40: {  	_ =	shalt  }
0x41: {  	_ =	shalt  }
0x42: {  	_ =	shalt  }
0x43: {  	_ =	shalt  }
0x44: {  	_ =	shalt  }
0x45: {  	_ =	shalt  }
0x46: {  	_ =	shalt  }
0x47: {  	_ =	shalt  }
0x48: {  	_ =	shalt  }
0x49: {  	_ =	shalt  }
0x4a: {  	_ =	shalt  }
0x4b: {  	_ =	shalt  }
0x4c: {  	_ =	shalt  }
0x4d: {  	_ =	shalt  }
0x4e: {  	_ =	shalt  }
0x4f: {  	_ =	shalt  }
0x50: {  	_ =	shalt  }
0x51: {  	_ =	shalt  }
0x52: {  	_ =	shalt  }
0x53: {  	_ =	shalt  }
0x54: {  	_ =	shalt  }
0x55: {  	_ =	shalt  }
0x56: {  	_ =	shalt  }
0x57: {  	_ =	shalt  }
0x58: {  	_ =	shalt  }
0x59: {  	_ =	shalt  }
0x5a: {  	_ =	shalt  }
0x5b: {  	_ =	shalt  }
0x5c: {  	_ =	shalt  }
0x5d: {  	_ =	shalt  }
0x5e: {  	_ =	shalt  }
0x5f: {  	_ =	shalt  }
0x60: {  	_ =	shalt  }
0x61: {  	_ =	shalt  }
0x62: {  	_ =	shalt  }
0x63: {  	_ =	shalt  }
0x64: {  	_ =	shalt  }
0x65: {  	_ =	shalt  }
0x66: {  	_ =	shalt  }
0x67: {  	_ =	shalt  }
0x68: {  	_ =	shalt  }
0x69: {  	_ =	shalt  }
0x6a: {  	_ =	shalt  }
0x6b: {  	_ =	shalt  }
0x6c: {  	_ =	shalt  }
0x6d: {  	_ =	shalt  }
0x6e: {  	_ =	shalt  }
0x6f: {  	_ =	shalt  }
0x70: {  	_ =	shalt  }
0x71: {  	_ =	shalt  }
0x72: {  	_ =	shalt  }
0x73: {  	_ =	shalt  }
0x74: {  	_ =	shalt  }
0x75: {  	_ =	shalt  }
0x76: {  	_ =	shalt  }
0x77: {  	_ =	shalt  }
0x78: {  	_ =	shalt  }
0x79: {  	_ =	shalt  }
0x7a: {  	_ =	shalt  }
0x7b: {  	_ =	shalt  }
0x7c: {  	_ =	shalt  }
0x7d: {  	_ =	shalt  }
0x7e: {  	_ =	shalt  }
0x7f: {  	_ =	shalt  }
0x80: {  	_ =	shalt  }
0x81: {  	_ =	shalt  }
0x82: {  	_ =	shalt  }
0x83: {  	_ =	shalt  }
0x84: {  	_ =	shalt  }
0x85: {  	_ =	shalt  }
0x86: {  	_ =	shalt  }
0x87: {  	_ =	shalt  }
.Lfunc_end0:
.L_simem_size_0:
called_computation_lowered:
.L_overlay_start_0:
0x88: {  	s2 =	sld [smem:$0x3FD9]  }
0x89: {  	s3 =	sld [smem:$0x3FFE];
	_ =	sdelay $0x1  }
0x8a: {  	s1 =	srdreg.scid  }
0x8b: {  	s0 =	sand.u32 $0x1, s1  }
0x8c: {  	s17 =	sshll.u32 s0, $0xA;
	s2 =	sadd.s32 s3, s2  }
0x8d: {  	s2 =	sadd.s32 s2, s17  }
0x8e: {  	[smem:$0x3FC4] =	sst s2  }
0x8f: {  	_ = 	snop  }
0x90: {  	s2 =	sld [smem:$0x3FC8]  }
0x91: {  	s18 =	sld [smem:$0x3FC6];
	(tm) =	ssettm $0x1  }
0x92: {  	s4 =	sld [smem:$0x3FFB];
	_ =	sdelay $0x3  }
0x93: {  	_ =	strace s4  }
0x94: {  	s4 =	sld [smem:$0x3FFC];
	_ =	sdelay $0x3  }
0x95: {  	_ =	strace s4  }
0x96: {  	s4 =	sld [smem:$0x3FFD];
	_ =	sdelay $0x3  }
0x97: {  	_ =	strace s4  }
0x98: {  	_ =	strace $0x8FFFFFFF  }
0x99: {  	s19 =	sld [smem:$0x3FDB];
	_ =	sdelay $0x1  }
0x9a: {  	s5 =	simm.s32 $_scs_section_size  }
0x9b: {  	s6 =	simm.s32 $_size__tile_overlayer_lowered;
	s7 =	simm.s32 $_tile_overlayer_lowered  }
0x9c: {  	s22 =	simm.s32 $0x1BFF;
	s21 =	sshll.u32 s7, $0x1;
	s4 =	sadd.s32 s5, s19  }
0x9d: {  	s8 =	simm.s32 $0x0;
	s20 =	sshll.u32 s6, $0x1;
	s6 =	sadd.s32 s21, s4  }
0x9e: {  	[timem:s8], [sflag:s22] =	dma.local [hbm:s6], s20  }
0x9f: {  	_ =	swait.ge [sflag:s22], s20  }
0xa0: {  	s5 =	ssub.s32 $0x0, s20;
	[sflag:s22] =	ssyncset.done $0x0  }
0xa1: {  	[sflag:s22] =	ssyncadd.s32 s5;
	_ =	sdelay $0x1  }
0xa2: {  	s23 =	simm.s32 $0x1B8B  }
0xa3: {  	_ =	swait.ge [sflag:s23], $0x1  }
0xa4: {  	[sflag:s23] =	ssyncset.done $0x0  }
0xa5: {  	s25 =	simm.s32 $0x1B8E;
	s24 =	sld [smem:$0x3FFE];
	[sflag:s23] =	ssyncadd.s32 $0xFFFFFFFF  }
0xa6: {  	s26 =	simm.s32 $execute0_lowered;
	[smem:$0x3FD2] =	sst s25  }
0xa7: {  	s6 =	sshll.u32 s26, $0x1;
	_ =	strace $0x80000046;
	[dreg:$0x1] =	wrdreg $0xFFFFFFFF  }
0xa8: {  	s28 =	simm.s32 $_size_execute0_lowered;
	s4 =	sadd.s32 s4, s6;
	[dreg:$0x0] =	wrdreg $0x0  }
0xa9: {  	s6 =	sshll.u32 s28, $0x1;
	[dreg:$0x2] =	wrdreg s4  }
0xaa: {  	[dreg:$0x3] =	wrdreg s6  }
0xab: {  	[dreg:$0x4] =	wrdreg $0xC0  }
0xac: {  	_ =	task [dreg:s8], $0x5FFFF  }
0xad: {  	[dreg:$0x1] =	wrdreg $0xFFFFFFFF  }
0xae: {  	[dreg:$0x0] =	wrdreg $0x60  }
0xaf: {  	[dreg:$0x2] =	wrdreg s24  }
0xb0: {  	[dreg:$0x3] =	wrdreg s2  }
0xb1: {  	[dreg:$0x4] =	wrdreg s18  }
0xb2: {  	[dreg:$0x5] =	wrdreg $0x9  }
0xb3: {  	_ =	task.clear_ibuf [dreg:s8], $0x6FFFF;
	_ =	strace $0x90000046  }
0xb4: {  	s29 =	simm.s32 $0x9;
	_ =	strace $0x80000048  }
0xb5: {  	_ =	swait.ge [sflag:s29], $0x1  }
0xb6: {  	[sflag:s29] =	ssyncadd.s32 $0xFFFFFFFF  }
0xb7: {  	_ =	strace $0x90000048  }
0xb8: {  	_ =	sfence  }
0xb9: {  	s30 =	sld [smem:$0x0];
	_ =	sdelay $0x2  }
0xba: {  	s31 =	sshll.u32 s1, $0xD;
	s1 =	sshrl.u32 s1, $0x2  }
0xbb: {  	s3 =	sand.u32 $0x4000, s31;
	s1 =	sadd.s32 s1, s30  }
0xbc: {  	s0 =	sor.u32 s3, s0;
	s1 =	sshll.u32 s1, $0x11  }
0xbd: {  	s0 =	sor.u32 s1, s0  }
0xbe: {  	s0 =	sadd.s32 $0x8F2B, s0  }
0xbf: {  	[sflag:s0] =	ssyncadd.remote.s32 $0x1  }
0xc0: {  	_ =	sfence.sel $0xFFFF  }
0xc1: {  	[dreg:$0x0] =	wrdreg $0xFFFFFFFF;
	(pc) =	sbr.abs _section_cstart, $3  }
0xc2: {  	[dreg:$0x1] =	wrdreg $0xFFFFFFFF  }
0xc3: {  	_ =	task.clear_ibuf [dreg:s8], $0x2FFFF;
	_ =	strace $0x9FFFFFFF  }
0xc4: {  	(tm) =	ssettm $0x7FFFFFFF  }
0xc5: {  	_ =	shalt  }
tec
execute0_lowered:
.L_overlay_start_1:
0x0: {  	(tag) =	ssettag $0x1  }
0x1: {  	s4 =	rddreg [dreg:$0x0]  }
0x2: {  	s5 =	rddreg [dreg:$0x1]  }
0x3: {  	s2 =	rddreg [dreg:$0x2]  }
0x4: {  	s0 =	rddreg [dreg:$0x3];
	s6 =	srdreg.scid  }
0x5: {  	s1 =	stileid.u32;
	s3 =	simm.s32 $0x0;
	v2 =	vlaneseq.u32;
	s10 =	simm.s32 $0x3000  }
0x6: {  	s11 =	simm.s32 $0x6000;
	s12 =	simm.s32 $0x3;
	[smem:$0x7FF] =	sst s3;
	v0 =	vor.u32 $0x10, v2  }
0x7: {  	s13 =	simm.s32 $0x1;
	s14 =	simm.s32 $0x2;
	v1 =	vor.u32 $0x20, v2;
	_ =	strace $0x80000047;
	[tilespmem:$0x1FF90] =	vst v0  }
0x8: {  	v60 =	vimm.s32 $0x73727170;
	s15 =	simm.s32 $0x6080;
	s6 =	sand.u32 $0x1, s6;
	s7 =	sshll.u32 s1, $0x1;
	v3 =	vor.u32 $0x30, v2;
	[tilespmem:$0x1FFA0] =	vst v1  }
0x9: {  	v61 =	vimm.s32 $0x77767574;
	s16 =	simm.s32 $0x6180;
	v62 =	vor.u32 $0x40, v2;
	s7 =	sor.u32 s6, s7;
	s6 =	ssub.s32 $0x2, s6;
	v0 =	vunpack.c.0.s8.s32 v60;
	[tilespmem:$0x1FFB0] =	vst v3  }
0xa: {  	vm0 =	vcmask $0xF00;
	s17 =	simm.s32 $0x0;
	v63 =	vor.u32 $0x50, v2;
	v1 =	vunpack.c.0.s8.s32 v61;
	[tilespmem:$0x1FFC0] =	vst v62;
	s8 =	sshll.u32 s7, $0x5;
	s9 =	sshrl.u32 s6, $0x1  }
0xb: {  	vm15 =	vcmask $0x1F10;
	v2 =	vor.u32 $0x60, v2;
	[tilespmem:$0x1FFD0] =	vst v63;
	s7 =	sshll.u32 s7, $0x9;
	s8 =	sadd.s32 s8, s4;
	s9 =	ssub.s32 s6, s9;
	v0 =	vnsel vm0, $0x77, v0  }
0xc: {  	[tilespmem:$0x1FFE0] =	vst v2;
	s4 =	sadd.s32 s4, s7;
	s5 =	sadd.s32 s5, s7;
	s6 =	sadd.s32 $0xC000, s8;
	v0 =	vsel vm15, v1, v0  }
0xd: {  	s7 =	smax.u32 s9, $0x1;
	s8 =	simm.s32 $0x1000;
	s9 =	simm.s32 $0x20000;
	[tilespmem:$0x1FFF0] =	vst v0  }
.LBB2_1:
0xe: {  	[tilespmem:s3], [sflag:$0x1] =	stream.strided.gather [hbm4b:s4+s8], $0x3000, s9, s8, $0x38;
	[tilespmem:$0x6280] =	vst v63  }
0xf: {  	_ = 	snop  }
0x10: {  	[tilespmem:s10], [sflag:$0x2] =	stream.strided.gather [hbm4b:s5+s8], $0x3000, s9, s8, $0x38;
	[tilespmem:$0x6280] =	vst v63  }
0x11: {  	v1 =	vlaneseq.u32  }
0x12: {  	[tilespmem:s11], [sflag:$0x3] =	stream.linear.gather [hbm4b:s2+s3], $0x80, $0x38;
	[tilespmem:$0x6280] =	vst v63  }
0x13: {  	_ =	swait.ge [sflag:s12], $0x80  }
0x14: {  	[sflag:s12] =	ssyncset.done $0x0  }
0x15: {  	v2 =	vld [tilespmem:$0x1FF90];
	[sflag:s12] =	ssyncadd.s32 $0xFFFFFF80  }
0x16: {  	v0 =	vld.idx.msk [tilespmem:v1+s11+$0x0], $0xffff;
	_ =	sdelay $0x4  }
0x17: {  	v0 =	vmul.f32 $0.0e+00, v0;
	_ =	sdelay $0x1  }
0x18: {  	v3 =	vld [tilespmem:$0x1FFA0];
	[tilespmem:$0x6080] =	vst v0  }
0x19: {  	v0 =	vld.idx.msk [tilespmem:v2+s11+$0x0], $0xffff;
	_ =	sdelay $0x4  }
0x1a: {  	v0 =	vmul.f32 $0.0e+00, v0;
	_ =	sdelay $0x1  }
0x1b: {  	v4 =	vld [tilespmem:$0x1FFB0];
	[tilespmem:$0x6090] =	vst v0  }
0x1c: {  	v0 =	vld.idx.msk [tilespmem:v3+s11+$0x0], $0xffff;
	_ =	sdelay $0x4  }
0x1d: {  	v0 =	vmul.f32 $0.0e+00, v0;
	_ =	sdelay $0x1  }
0x1e: {  	v5 =	vld [tilespmem:$0x1FFC0];
	[tilespmem:$0x60A0] =	vst v0  }
0x1f: {  	v0 =	vld.idx.msk [tilespmem:v4+s11+$0x0], $0xffff;
	_ =	sdelay $0x4  }
0x20: {  	v0 =	vmul.f32 $0.0e+00, v0;
	_ =	sdelay $0x1  }
0x21: {  	v6 =	vld [tilespmem:$0x1FFD0];
	[tilespmem:$0x60B0] =	vst v0  }
0x22: {  	v0 =	vld.idx.msk [tilespmem:v5+s11+$0x0], $0xffff;
	_ =	sdelay $0x4  }
0x23: {  	v0 =	vmul.f32 $0.0e+00, v0;
	_ =	sdelay $0x1  }
0x24: {  	v7 =	vld [tilespmem:$0x1FFE0];
	[tilespmem:$0x60C0] =	vst v0  }
0x25: {  	v0 =	vld.idx.msk [tilespmem:v6+s11+$0x0], $0xffff;
	_ =	sdelay $0x4  }
0x26: {  	v0 =	vmul.f32 $0.0e+00, v0;
	_ =	sdelay $0x1  }
0x27: {  	v8 =	vld [tilespmem:$0x1FFF0];
	[tilespmem:$0x60D0] =	vst v0  }
0x28: {  	v0 =	vld.idx.msk [tilespmem:v7+s11+$0x0], $0xffff;
	_ =	sdelay $0x4  }
0x29: {  	v0 =	vmul.f32 $0.0e+00, v0;
	_ =	sdelay $0x1  }
0x2a: {  	[tilespmem:$0x60E0] =	vst v0  }
0x2b: {  	v0 =	vld.idx.msk [tilespmem:v8+s11+$0x0], $0xffff;
	_ =	sdelay $0x4  }
0x2c: {  	v0 =	vmul.f32 $0.0e+00, v0;
	_ =	sdelay $0x1  }
0x2d: {  	[tilespmem:$0x60F0] =	vst v0  }
0x2e: {  	v0 =	vld.idx.msk [tilespmem:v1+s11+$0x0], $0xffff;
	_ =	sdelay $0x4  }
0x2f: {  	[tilespmem:$0x6100] =	vst v0  }
0x30: {  	v0 =	vld.idx.msk [tilespmem:v2+s11+$0x0], $0xffff;
	_ =	sdelay $0x4  }
0x31: {  	[tilespmem:$0x6110] =	vst v0  }
0x32: {  	v0 =	vld.idx.msk [tilespmem:v3+s11+$0x0], $0xffff;
	_ =	sdelay $0x4  }
0x33: {  	[tilespmem:$0x6120] =	vst v0  }
0x34: {  	v0 =	vld.idx.msk [tilespmem:v4+s11+$0x0], $0xffff;
	_ =	sdelay $0x4  }
0x35: {  	[tilespmem:$0x6130] =	vst v0  }
0x36: {  	v0 =	vld.idx.msk [tilespmem:v5+s11+$0x0], $0xffff;
	_ =	sdelay $0x4  }
0x37: {  	[tilespmem:$0x6140] =	vst v0  }
0x38: {  	v0 =	vld.idx.msk [tilespmem:v6+s11+$0x0], $0xffff;
	_ =	sdelay $0x4  }
0x39: {  	[tilespmem:$0x6150] =	vst v0  }
0x3a: {  	v0 =	vld.idx.msk [tilespmem:v7+s11+$0x0], $0xffff;
	_ =	sdelay $0x4  }
0x3b: {  	[tilespmem:$0x6160] =	vst v0  }
0x3c: {  	v0 =	vld.idx.msk [tilespmem:v8+s11+$0x0], $0xffff;
	_ =	sdelay $0x4  }
0x3d: {  	[tilespmem:$0x6170] =	vst v0  }
0x3e: {  	_ =	swait.ge [sflag:s13], $0x3000  }
0x3f: {  	[sflag:s13] =	ssyncset.done $0x0  }
0x40: {  	[sflag:s13] =	ssyncadd.s32 $0xFFFFD000  }
0x41: {  	_ =	swait.ge [sflag:s14], $0x3000  }
0x42: {  	s18 =	sand.u32 $0x60, s3;
	s19 =	sand.u32 $0xC00, s3;
	[sflag:s14] =	ssyncset.done $0x0  }
0x43: {  	s18 =	sor.u32 s18, s19;
	[sflag:s14] =	ssyncadd.s32 $0xFFFFD000  }
0x44: {  	v63 =	vld [tilespmem:s18+$0x5010]  }
0x45: {  	v27 =	vld [tilespmem:s18+$0x5090]  }
0x46: {  	v19 =	vld [tilespmem:s18+$0x5110]  }
0x47: {  	v51 =	vld [tilespmem:s18+$0x5000]  }
0x48: {  	v0 =	vld [tilespmem:s18+$0x5080]  }
0x49: {  	v20 =	vld [tilespmem:s18+$0x4200]  }
0x4a: {  	v21 =	vld [tilespmem:s18+$0x4280]  }
0x4b: {  	v22 =	vld [tilespmem:s18+$0x4010]  }
0x4c: {  	v23 =	vld [tilespmem:s18+$0x4090]  }
0x4d: {  	v24 =	vld [tilespmem:s18+$0x4110]  }
0x4e: {  	v25 =	vld [tilespmem:s18+$0x4190]  }
0x4f: {  	v26 =	vld [tilespmem:s18+$0x3210]  }
0x50: {  	v28 =	vld [tilespmem:s18+$0x3290]  }
0x51: {  	v29 =	vld [tilespmem:s18+$0x3200]  }
0x52: {  	v30 =	vld [tilespmem:s18+$0x3280]  }
0x53: {  	v31 =	vld [tilespmem:s18+$0x3010]  }
0x54: {  	v33 =	vld [tilespmem:s18+$0x3090]  }
0x55: {  	v32 =	vld [tilespmem:s18+$0x3110]  }
0x56: {  	v34 =	vld [tilespmem:s18+$0x3190]  }
0x57: {  	v1 =	vld [tilespmem:s18+$0x2010]  }
0x58: {  	v4 =	vld [tilespmem:s18+$0x2090]  }
0x59: {  	v5 =	vld [tilespmem:s18+$0x2110]  }
0x5a: {  	v36 =	vld [tilespmem:s18+$0x3000]  }
0x5b: {  	v38 =	vld [tilespmem:s18+$0x3080]  }
0x5c: {  	v37 =	vld [tilespmem:s18+$0x3100]  }
0x5d: {  	v6 =	vld [tilespmem:s18+$0x2000]  }
0x5e: {  	v9 =	vld [tilespmem:s18+$0x1210]  }
0x5f: {  	v10 =	vld [tilespmem:s18+$0x1290]  }
0x60: {  	s22 =	sor.u32 s3, s3;
	v11 =	vld [tilespmem:s18+$0x1200]  }
0x61: {  	s20 =	sor.u32 $0x1380, s22;
	v12 =	vld [tilespmem:s18+$0x1280]  }
0x62: {  	v35 =	vld [tilespmem:s20+$0x0]  }
0x63: {  	v13 =	vld [tilespmem:s18+$0x1010]  }
0x64: {  	v14 =	vld [tilespmem:s18+$0x1090]  }
0x65: {  	v18 =	vld [tilespmem:s18+$0x1110]  }
0x66: {  	v42 =	vld [tilespmem:s18+$0x1190]  }
0x67: {  	v43 =	vld [tilespmem:s18+$0x1000]  }
0x68: {  	v41 =	vld [tilespmem:s18+$0x1080]  }
0x69: {  	v40 =	vld [tilespmem:s18+$0x1100]  }
0x6a: {  	v44 =	vld [tilespmem:s18+$0x210]  }
0x6b: {  	v45 =	vld [tilespmem:s18+$0x290]  }
0x6c: {  	v47 =	vld [tilespmem:s18+$0x200]  }
0x6d: {  	s19 =	sor.u32 $0x380, s22;
	v49 =	vld [tilespmem:s18+$0x280]  }
0x6e: {  	v57 =	vld [tilespmem:s19+$0x0]  }
0x6f: {  	v54 =	vld [tilespmem:s18+$0x10]  }
0x70: {  	v55 =	vld [tilespmem:s18+$0x90]  }
0x71: {  	[tilespmem:$0x1FE90] =	vst v0;
	v0 =	vld [tilespmem:s18+$0x5100]  }
0x72: {  	v56 =	vld [tilespmem:s18+$0x110]  }
0x73: {  	s22 =	sand.u32 $0x3, s3;
	v59 =	vld [tilespmem:s18+$0x190]  }
0x74: {  	s22 =	sshll.u32 s22, $0x5;
	v3 =	vld [tilespmem:s18+$0x0]  }
0x75: {  	s25 =	sadd.s32 $0x0, s22;
	v2 =	vld [tilespmem:s18+$0x80]  }
0x76: {  	s28 =	sor.u32 $0x300, s25;
	[tilespmem:$0x1FEA0] =	vst v0;
	v0 =	vld [tilespmem:s18+$0x4210]  }
0x77: {  	s26 =	sor.u32 $0x1300, s25;
	v62 =	vld [tilespmem:s28+$0x3000]  }
0x78: {  	v60 =	vld [tilespmem:s26+$0x0]  }
0x79: {  	v61 =	vld.idx.msk [tilespmem:v1+s15+$0x0], $0xffff  }
0x7a: {  	v8 =	vld.idx.msk [tilespmem:v4+s15+$0x0], $0xffff  }
0x7b: {  	[tilespmem:$0x1FF40] =	vst v0;
	v0 =	vld [tilespmem:s18+$0x4290]  }
0x7c: {  	v48 =	vld.idx.msk [tilespmem:v5+s15+$0x0], $0xffff  }
0x7d: {  	v46 =	vld.idx.msk [tilespmem:v9+s15+$0x0], $0xffff  }
0x7e: {  	v1 =	vld.idx.msk [tilespmem:v10+s15+$0x0], $0xffff  }
0x7f: {  	v15 =	vld.idx.msk [tilespmem:v11+s15+$0x0], $0xffff  }
0x80: {  	[tilespmem:$0x1FF50] =	vst v0;
	v0 =	vld [tilespmem:s20+$0x3000]  }
0x81: {  	v17 =	vld.idx.msk [tilespmem:v12+s15+$0x0], $0xffff  }
0x82: {  	v13 =	vld.idx.msk [tilespmem:v13+s15+$0x0], $0xffff  }
0x83: {  	v16 =	vld.idx.msk [tilespmem:v14+s15+$0x0], $0xffff  }
0x84: {  	v53 =	vld.idx.msk [tilespmem:v18+s15+$0x0], $0xffff  }
0x85: {  	[tilespmem:$0x1FEB0] =	vst v0;
	v0 =	vld [tilespmem:s18+$0x4000]  }
0x86: {  	v14 =	vld.idx.msk [tilespmem:v42+s15+$0x0], $0xffff  }
0x87: {  	v50 =	vld.idx.msk [tilespmem:v44+s15+$0x0], $0xffff  }
0x88: {  	v10 =	vld.idx.msk [tilespmem:v45+s15+$0x0], $0xffff  }
0x89: {  	v52 =	vld.idx.msk [tilespmem:v47+s15+$0x0], $0xffff  }
0x8a: {  	[tilespmem:$0x1FEC0] =	vst v0;
	v0 =	vld [tilespmem:s18+$0x4080]  }
0x8b: {  	v11 =	vld.idx.msk [tilespmem:v49+s15+$0x0], $0xffff  }
0x8c: {  	v9 =	vld.idx.msk [tilespmem:v54+s15+$0x0], $0xffff  }
0x8d: {  	v49 =	vld.idx.msk [tilespmem:v55+s15+$0x0], $0xffff  }
0x8e: {  	v12 =	vld.idx.msk [tilespmem:v56+s15+$0x0], $0xffff  }
0x8f: {  	[tilespmem:$0x1FED0] =	vst v0;
	v0 =	vld [tilespmem:s18+$0x4100]  }
0x90: {  	v18 =	vld.idx.msk [tilespmem:v59+s15+$0x0], $0xffff  }
0x91: {  	v44 =	vld [tilespmem:s26+$0x3000];
	s20 =	sadd.s32 $0x10, s25  }
0x92: {  	v56 =	vmul.f32 v8, v27;
	s29 =	sor.u32 $0x1300, s20;
	v8 =	vld [tilespmem:$0x1FF50]  }
0x93: {  	v47 =	vld [tilespmem:s29+$0x3000]  }
0x94: {  	s23 =	sand.u32 $0xFFFFFC00, s3;
	s30 =	sor.u32 $0x1380, s20;
	[tilespmem:$0x1FEE0] =	vst v0;
	v0 =	vld [tilespmem:s19+$0x3000]  }
0x95: {  	s31 =	sor.u32 $0x300, s20;
	v45 =	vld [tilespmem:s30+$0x3000];
	s19 =	sadd.s32 $0x0, s23  }
0x96: {  	v4 =	vld [tilespmem:s31+$0x3000];
	s24 =	sor.u32 $0x2180, s19  }
0x97: {  	v7 =	vld [tilespmem:s24+$0x3000]  }
0x98: {  	v54 =	vmul.f32 v61, v63;
	v63 =	vld [tilespmem:s29+$0x0]  }
0x99: {  	[tilespmem:$0x1FEF0] =	vst v0;
	v0 =	vld [tilespmem:s18+$0x2190]  }
0x9a: {  	v61 =	vld [tilespmem:s30+$0x0];
	s23 =	sor.u32 $0x380, s20  }
0x9b: {  	[tilespmem:$0x1FF60] =	vst v1;
	v1 =	vld [tilespmem:s23+$0x3000]  }
0x9c: {  	s21 =	sor.u32 $0x1180, s19;
	[tilespmem:$0x1FF30] =	vst v7;
	v7 =	vld.idx.msk [tilespmem:v6+s15+$0x0], $0xffff  }
0x9d: {  	v39 =	vld [tilespmem:s21+$0x3000]  }
0x9e: {  	s19 =	sor.u32 $0x180, s19;
	[tilespmem:$0x1FF00] =	vst v0;
	v0 =	vld [tilespmem:s18+$0x2080]  }
0x9f: {  	v58 =	vld [tilespmem:s19+$0x3000]  }
0xa0: {  	v42 =	vld [tilespmem:s24+$0x0]  }
0xa1: {  	v55 =	vmul.f32 v7, v51;
	v51 =	vmul.f32 v48, v19;
	v19 =	vld [tilespmem:$0x1FF60]  }
0xa2: {  	v7 =	vld [tilespmem:$0x1FF40]  }
0xa3: {  	[tilespmem:$0x1FF10] =	vst v0;
	v0 =	vld [tilespmem:s18+$0x2100]  }
0xa4: {  	v59 =	vld [tilespmem:s21+$0x0]  }
0xa5: {  	v5 =	vld [tilespmem:s19+$0x0]  }
0xa6: {  	v6 =	vld [tilespmem:s28+$0x0];
	v48 =	vmul.f32 v19, v8;
	v8 =	vimm.f32 $0.0e+00  }
0xa7: {  	v46 =	vmul.f32 v46, v7;
	v7 =	vld [tilespmem:s31+$0x0];
	[tilespmem:$0x1FF70] =	vst v8  }
0xa8: {  	v19 =	vimm.f32 $0.0e+00;
	[tilespmem:$0x1FF20] =	vst v0;
	v0 =	vld [tilespmem:s18+$0x100]  }
0xa9: {  	s20 =	simm.s32 $0x0;
	s19 =	simm.s32 $0x20;
	s21 =	simm.s32 $0x0;
	v8 =	vld [tilespmem:s23+$0x0];
	[tilespmem:$0x1FF80] =	vst v19  }
.LBB2_2:
0xaa: {  	_ =	sdelay $0x1  }
0xab: {  	v19 =	vld [tilespmem:$0x1FEF0]  }
0xac: {  	v5 =	vld.idx.msk [tilespmem:v5+s15+$0x0], $0xffff  }
0xad: {  	v3 =	vld.idx.msk [tilespmem:v3+s15+$0x0], $0xffff  }
0xae: {  	v2 =	vld.idx.msk [tilespmem:v2+s15+$0x0], $0xffff  }
0xaf: {  	v0 =	vld.idx.msk [tilespmem:v0+s15+$0x0], $0xffff  }
0xb0: {  	v15 =	vmul.f32 v15, v20;
	v20 =	vmul.f32 v53, v24;
	v24 =	vld.idx.msk [tilespmem:v57+s15+$0x0], $0xffff  }
0xb1: {  	v6 =	vld.idx.msk [tilespmem:v6+s15+$0x0], $0xffff  }
0xb2: {  	v7 =	vld.idx.msk [tilespmem:v7+s15+$0x0], $0xffff  }
0xb3: {  	v8 =	vld.idx.msk [tilespmem:v8+s15+$0x0], $0xffff  }
0xb4: {  	v13 =	vmul.f32 v13, v22;
	v22 =	vmul.f32 v50, v26;
	v26 =	vld.idx.msk [tilespmem:v43+s15+$0x0], $0xffff  }
0xb5: {  	s20 =	sadd.s32 $0x100, s20;
	v27 =	vld.idx.msk [tilespmem:v41+s15+$0x0], $0xffff  }
0xb6: {  	s28 =	sor.u32 s19, s20;
	v16 =	vmul.f32 v16, v23;
	v10 =	vmul.f32 v10, v28;
	v28 =	vld.idx.msk [tilespmem:v59+s15+$0x0], $0xffff  }
0xb7: {  	s21 =	sadd.s32 $0x1, s21;
	s29 =	sor.u32 $0x1380, s28;
	v23 =	vmul.f32 v52, v29;
	v9 =	vmul.f32 v9, v31;
	v29 =	vld.idx.msk [tilespmem:v35+s15+$0x0], $0xffff  }
0xb8: {  	s25 =	sand.u32 $0x3, s21;
	v14 =	vmul.f32 v14, v25;
	v25 =	vmul.f32 v49, v33;
	v35 =	vld [tilespmem:s29+$0x0]  }
0xb9: {  	s25 =	sshll.u32 s25, $0x5;
	v9 =	vadd.f32 $0.0e+00, v9;
	v19 =	vmul.f32 v24, v19;
	v24 =	vld.idx.msk [tilespmem:v40+s15+$0x0], $0xffff  }
0xba: {  	s25 =	sadd.s32 s25, s20;
	v25 =	vadd.f32 $0.0e+00, v25;
	v4 =	vmul.f32 v7, v4;
	v7 =	vld.idx.msk [tilespmem:v60+s15+$0x0], $0xffff  }
0xbb: {  	v12 =	vmul.f32 v12, v32;
	s26 =	sor.u32 $0x1300, s25;
	v9 =	vadd.f32 v22, v9;
	v1 =	vmul.f32 v8, v1;
	v8 =	vld.idx.msk [tilespmem:v63+s15+$0x0], $0xffff  }
0xbc: {  	v18 =	vmul.f32 v18, v34;
	v10 =	vadd.f32 v10, v25;
	v60 =	vld [tilespmem:s26+$0x0]  }
0xbd: {  	v12 =	vadd.f32 $0.0e+00, v12;
	v5 =	vmul.f32 v5, v58;
	v9 =	vadd.f32 v13, v9;
	v13 =	vld [tilespmem:$0x1FEB0]  }
0xbe: {  	v18 =	vadd.f32 $0.0e+00, v18;
	v0 =	vmul.f32 v0, v37;
	v10 =	vadd.f32 v16, v10;
	v16 =	vld.idx.msk [tilespmem:v42+s15+$0x0], $0xffff  }
0xbf: {  	v2 =	vmul.f32 v2, v38;
	v5 =	vadd.f32 $0.0e+00, v5;
	v4 =	vadd.f32 v4, v12;
	v12 =	vld.idx.msk [tilespmem:v61+s15+$0x0], $0xffff  }
0xc0: {  	v6 =	vmul.f32 v6, v62;
	v0 =	vadd.f32 $0.0e+00, v0;
	v1 =	vadd.f32 v1, v18;
	v18 =	vld [tilespmem:$0x1FEE0]  }
0xc1: {  	v11 =	vmul.f32 v11, v30;
	v2 =	vadd.f32 $0.0e+00, v2;
	v5 =	vadd.f32 v19, v5;
	v19 =	vld [tilespmem:$0x1FF10]  }
0xc2: {  	v0 =	vadd.f32 v6, v0;
	v6 =	vld [tilespmem:$0x1FEC0]  }
0xc3: {  	s22 =	sand.u32 $0x60, s19;
	s23 =	sand.u32 $0xC00, s20;
	v2 =	vadd.f32 v11, v2;
	v11 =	vld [tilespmem:$0x1FED0]  }
0xc4: {  	v1 =	vadd.f32 v14, v1;
	v14 =	vld [tilespmem:s18+$0x5190];
	s18 =	sor.u32 s22, s23  }
0xc5: {  	v9 =	vadd.f32 v46, v9;
	v46 =	vld [tilespmem:s18+$0x4110]  }
0xc6: {  	v10 =	vadd.f32 v48, v10;
	v48 =	vld [tilespmem:s18+$0x3210]  }
0xc7: {  	v30 =	vld [tilespmem:s18+$0x3280]  }
0xc8: {  	v31 =	vld [tilespmem:s18+$0x3010]  }
0xc9: {  	v33 =	vld [tilespmem:s18+$0x3090]  }
0xca: {  	v32 =	vld [tilespmem:s18+$0x3110]  }
0xcb: {  	v34 =	vld [tilespmem:s18+$0x3190]  }
0xcc: {  	v9 =	vadd.f32 v54, v9;
	v54 =	vld [tilespmem:s18+$0x2090]  }
0xcd: {  	v3 =	vmul.f32 v3, v36;
	v36 =	vld [tilespmem:s18+$0x3000]  }
0xce: {  	v38 =	vld [tilespmem:s18+$0x3080]  }
0xcf: {  	v37 =	vld [tilespmem:s18+$0x3100]  }
0xd0: {  	v49 =	vld [tilespmem:s18+$0x1190]  }
0xd1: {  	v43 =	vld [tilespmem:s18+$0x1000]  }
0xd2: {  	v41 =	vld [tilespmem:s18+$0x1080]  }
0xd3: {  	v40 =	vld [tilespmem:s18+$0x1100]  }
0xd4: {  	v50 =	vld [tilespmem:s18+$0x210]  }
0xd5: {  	v52 =	vld [tilespmem:s18+$0x290]  }
0xd6: {  	s23 =	sor.u32 $0x380, s28;
	v10 =	vadd.f32 v56, v10;
	v56 =	vld [tilespmem:s18+$0x200]  }
0xd7: {  	v57 =	vld [tilespmem:s23+$0x0]  }
0xd8: {  	v4 =	vadd.f32 v20, v4;
	v20 =	vld [tilespmem:s18+$0x10]  }
0xd9: {  	v17 =	vmul.f32 v17, v21;
	v3 =	vadd.f32 $0.0e+00, v3;
	v21 =	vld [tilespmem:s18+$0x90]  }
0xda: {  	v22 =	vld [tilespmem:s18+$0x110]  }
0xdb: {  	s30 =	sand.u32 $0xFFFFFC00, s20;
	v3 =	vadd.f32 v23, v3;
	s28 =	sor.u32 $0x300, s25;
	v23 =	vld [tilespmem:s18+$0x190]  }
0xdc: {  	s22 =	sadd.s32 s30, s19;
	v62 =	vld [tilespmem:s28+$0x3000]  }
0xdd: {  	s31 =	sor.u32 $0x2180, s22;
	s24 =	sor.u32 $0x1180, s22;
	s22 =	sor.u32 $0x180, s22;
	v13 =	vmul.f32 v29, v13;
	v29 =	vld [tilespmem:s18+$0x3200]  }
0xde: {  	v58 =	vld [tilespmem:s22+$0x3000];
	v11 =	vmul.f32 v27, v11  }
0xdf: {  	v42 =	vld [tilespmem:s31+$0x0]  }
0xe0: {  	v8 =	vmul.f32 v8, v47;
	v2 =	vadd.f32 v11, v2;
	v11 =	vld [tilespmem:$0x1FF20]  }
0xe1: {  	v59 =	vld [tilespmem:s24+$0x0];
	v18 =	vmul.f32 v24, v18  }
0xe2: {  	v12 =	vmul.f32 v12, v45;
	v4 =	vadd.f32 v8, v4;
	v8 =	vld [tilespmem:s18+$0x5110]  }
0xe3: {  	v0 =	vadd.f32 v18, v0;
	v18 =	vld [tilespmem:s18+$0x5010]  }
0xe4: {  	v1 =	vadd.f32 v12, v1;
	v12 =	vld [tilespmem:s18+$0x5080]  }
0xe5: {  	v4 =	vadd.f32 v51, v4;
	v51 =	vld [tilespmem:s18+$0x2010]  }
0xe6: {  	v19 =	vld.idx.msk [tilespmem:v19+s15+$0x0], $0xffff  }
0xe7: {  	v6 =	vmul.f32 v26, v6;
	[tilespmem:$0x1FE40] =	vst v8;
	v8 =	vld [tilespmem:$0x1FEA0]  }
0xe8: {  	v11 =	vld.idx.msk [tilespmem:v11+s15+$0x0], $0xffff  }
0xe9: {  	v3 =	vadd.f32 v6, v3;
	v6 =	vmul.f32 v28, v39;
	v28 =	vld [tilespmem:s18+$0x3290]  }
0xea: {  	v39 =	vld [tilespmem:s24+$0x3000]  }
0xeb: {  	v5 =	vadd.f32 v6, v5;
	v6 =	vmul.f32 v7, v44;
	v7 =	vld [tilespmem:$0x1FF00]  }
0xec: {  	v3 =	vadd.f32 v15, v3;
	v15 =	vld [tilespmem:s18+$0x5090]  }
0xed: {  	v8 =	vmul.f32 v11, v8;
	v11 =	vld [tilespmem:s18+$0x5000]  }
0xee: {  	v44 =	vld [tilespmem:s26+$0x3000]  }
0xef: {  	v24 =	vld.idx.msk [tilespmem:v54+s15+$0x0], $0xffff  }
0xf0: {  	[tilespmem:$0x1FE00] =	vst v18;
	v18 =	vld [tilespmem:s18+$0x1110]  }
0xf1: {  	v0 =	vadd.f32 v6, v0;
	v6 =	vld [tilespmem:$0x1FE90]  }
0xf2: {  	[tilespmem:$0x1FE20] =	vst v11;
	v11 =	vld [tilespmem:$0x1FF30]  }
0xf3: {  	v50 =	vld.idx.msk [tilespmem:v50+s15+$0x0], $0xffff  }
0xf4: {  	v3 =	vadd.f32 v55, v3;
	v55 =	vld [tilespmem:s18+$0x2110]  }
0xf5: {  	[tilespmem:$0x1FE90] =	vst v12;
	v12 =	vld [tilespmem:s18+$0x1200]  }
0xf6: {  	v2 =	vadd.f32 v17, v2;
	v5 =	vadd.f32 v13, v5;
	v13 =	vld [tilespmem:s18+$0x1280];
	v6 =	vmul.f32 v19, v6  }
0xf7: {  	v51 =	vld.idx.msk [tilespmem:v51+s15+$0x0], $0xffff;
	v11 =	vmul.f32 v16, v11  }
0xf8: {  	v19 =	vld [tilespmem:s18+$0x280];
	v2 =	vadd.f32 v6, v2  }
0xf9: {  	v7 =	vld.idx.msk [tilespmem:v7+s15+$0x0], $0xffff;
	v0 =	vadd.f32 v8, v0;
	v5 =	vadd.f32 v11, v5  }
0xfa: {  	v53 =	vld.idx.msk [tilespmem:v18+s15+$0x0], $0xffff  }
0xfb: {  	v18 =	vld [tilespmem:$0x1FE40];
	v2 =	vadd.f32 v2, v3;
	v0 =	vadd.f32 v5, v0  }
0xfc: {  	v25 =	vld.idx.msk [tilespmem:v55+s15+$0x0], $0xffff  }
0xfd: {  	v0 =	vadd.f32 v0, v2;
	v2 =	vld [tilespmem:s29+$0x3000]  }
0xfe: {  	[tilespmem:$0x1FE10] =	vst v15;
	v15 =	vld.idx.msk [tilespmem:v12+s15+$0x0], $0xffff  }
0xff: {  	v17 =	vld.idx.msk [tilespmem:v13+s15+$0x0], $0xffff  }
0x100: {  	v12 =	vld [tilespmem:$0x1FE00]  }
0x101: {  	v3 =	vld [tilespmem:s18+$0x4200]  }
0x102: {  	[tilespmem:$0x1FEB0] =	vst v2;
	v2 =	vld [tilespmem:s18+$0x4010]  }
0x103: {  	v6 =	vmul.f32 v7, v14;
	v7 =	vld [tilespmem:s18+$0x5100]  }
0x104: {  	v14 =	vld [tilespmem:s18+$0x1010]  }
0x105: {  	v1 =	vadd.f32 v6, v1;
	v6 =	vld [tilespmem:s18+$0x4290]  }
0x106: {  	v54 =	vmul.f32 v51, v12;
	v12 =	vld [tilespmem:$0x1FE10]  }
0x107: {  	[tilespmem:$0x1FE30] =	vst v2;
	v2 =	vld [tilespmem:s18+$0x4090]  }
0x108: {  	v51 =	vmul.f32 v25, v18;
	v18 =	vld.idx.msk [tilespmem:v23+s15+$0x0], $0xffff  }
0x109: {  	[tilespmem:$0x1FDE0] =	vst v3;
	v3 =	vadd.f32 v10, v9;
	v9 =	vld [tilespmem:s18+$0x2000]  }
0x10a: {  	v1 =	vadd.f32 v1, v4;
	v4 =	vld [tilespmem:s18+$0x4280]  }
0x10b: {  	v10 =	vld [tilespmem:s18+$0x1210];
	[tilespmem:$0x1FEA0] =	vst v7;
	v0 =	vand.u32 $0x7FFFFFFF, v0  }
0x10c: {  	v7 =	vld [tilespmem:s18+$0x4210];
	v1 =	vadd.f32 v1, v3;
	[tilespmem:$0x1FE60] =	vst v2;
	v2 =	vadd.f32 $-5.000000000e-01, v0  }
0x10d: {  	[tilespmem:$0x1FE80] =	vst v6;
	v6 =	vld [tilespmem:s28+$0x0]  }
0x10e: {  	v1 =	vand.u32 $0x7FFFFFFF, v1;
	v16 =	vld [tilespmem:s18+$0x1090];
	v2 =	vmax.f32 v2, $0.0e+00  }
0x10f: {  	[tilespmem:$0x1FDF0] =	vst v4;
	v3 =	vadd.f32 $-5.000000000e-01, v1;
	v4 =	vld [tilespmem:s18+$0x4190];
	v2 =	vadd.f32 v2, v2  }
0x110: {  	v13 =	vld.idx.msk [tilespmem:v14+s15+$0x0], $0xffff  }
0x111: {  	v14 =	vld.idx.msk [tilespmem:v49+s15+$0x0], $0xffff;
	v3 =	vmax.f32 v3, $0.0e+00;
	v2 =	vmul.f32 $1.442695020e+00, v2  }
0x112: {  	v49 =	vld.idx.msk [tilespmem:v21+s15+$0x0], $0xffff;
	v3 =	vadd.f32 v3, v3  }
0x113: {  	v11 =	vld [tilespmem:s18+$0x1290];
	(erf) = vpow2.f32 v2  }
0x114: {  	[tilespmem:$0x1FE50] =	vst v4;
	v4 =	vld [tilespmem:s18+$0x4000];
	v3 =	vmul.f32 $1.442695020e+00, v3  }
0x115: {  	v21 =	vld [tilespmem:$0x1FDF0]  }
0x116: {  	v55 =	vld.idx.msk [tilespmem:v9+s15+$0x0], $0xffff;
	(erf) = vpow2.f32 v3  }
0x117: {  	v2 =	vld [tilespmem:s23+$0x3000]  }
0x118: {  	v26 =	vld.idx.msk [tilespmem:v10+s15+$0x0], $0xffff  }
0x119: {  	[tilespmem:$0x1FEC0] =	vst v4;
	v4 =	vld [tilespmem:s18+$0x4080]  }
0x11a: {  	v10 =	vld.idx.msk [tilespmem:v52+s15+$0x0], $0xffff  }
0x11b: {  	v52 =	vld.idx.msk [tilespmem:v56+s15+$0x0], $0xffff  }
0x11c: {  	v9 =	vld.idx.msk [tilespmem:v20+s15+$0x0], $0xffff;
	[tilespmem:$0x1FEF0] =	vst v2;
	v2 =	vpop (erf)  }
0x11d: {  	v20 =	vld [tilespmem:$0x1FDE0];
	v2 =	vadd.f32 $1.000000000e+00, v2  }
0x11e: {  	[tilespmem:$0x1FED0] =	vst v4;
	v4 =	vld [tilespmem:s18+$0x4100]  }
0x11f: {  	v3 =	vpop (erf);
	(erf) = vrcp.f32 v2;
	v2 =	vld [tilespmem:s18+$0x2080]  }
0x120: {  	v56 =	vmul.f32 v24, v12;
	v12 =	vld [tilespmem:$0x1FE20]  }
0x121: {  	v5 =	vld [tilespmem:s22+$0x0]  }
0x122: {  	v25 =	vld [tilespmem:$0x1FE50]  }
0x123: {  	s29 =	sadd.s32 $0x10, s25;
	[tilespmem:$0x1FEE0] =	vst v4;
	v4 =	vld [tilespmem:s18+$0x2190]  }
0x124: {  	s30 =	sor.u32 $0x1380, s29;
	v3 =	vadd.f32 $1.000000000e+00, v3;
	[tilespmem:$0x1FF10] =	vst v2;
	v2 =	vld [tilespmem:s18+$0x2100]  }
0x125: {  	v45 =	vld [tilespmem:s30+$0x3000]  }
0x126: {  	v61 =	vld [tilespmem:s30+$0x0];
	(erf) = vrcp.f32 v3  }
0x127: {  	[tilespmem:$0x1FE70] =	vst v7;
	v27 =	vld.idx.msk [tilespmem:v11+s15+$0x0], $0xffff  }
0x128: {  	v11 =	vld.idx.msk [tilespmem:v19+s15+$0x0], $0xffff;
	[tilespmem:$0x1FF00] =	vst v4  }
0x129: {  	v4 =	vld [tilespmem:$0x1FF70];
	[tilespmem:$0x1FF20] =	vst v2;
	v2 =	vpop (erf)  }
0x12a: {  	s22 =	sor.u32 $0x380, s29;
	v19 =	vld [tilespmem:$0x1FE70];
	v2 =	vadd.f32 v2, v2  }
0x12b: {  	v8 =	vld [tilespmem:s22+$0x0]  }
0x12c: {  	v16 =	vld.idx.msk [tilespmem:v16+s15+$0x0], $0xffff;
	v2 =	vsub.f32 $1.000000000e+00, v2  }
0x12d: {  	v55 =	vmul.f32 v55, v12;
	v12 =	vld.idx.msk [tilespmem:v22+s15+$0x0], $0xffff  }
0x12e: {  	v2 =	vadd.f32 v2, v4;
	v4 =	vld [tilespmem:$0x1FF80]  }
0x12f: {  	v24 =	vmov v46;
	v46 =	vmul.f32 v26, v19;
	v19 =	vld [tilespmem:$0x1FE80];
	v3 =	vpop (erf)  }
0x130: {  	v22 =	vld [tilespmem:$0x1FE30];
	v3 =	vadd.f32 v3, v3  }
0x131: {  	v23 =	vld [tilespmem:$0x1FE60];
	s23 =	sor.u32 $0x1300, s29  }
0x132: {  	v47 =	vld [tilespmem:s23+$0x3000];
	v3 =	vsub.f32 $1.000000000e+00, v3  }
0x133: {  	v63 =	vld [tilespmem:s23+$0x0];
	v0 =	vadd.f32 v0, v4  }
0x134: {  	v2 =	vadd.f32 v3, v2;
	v3 =	vld [tilespmem:s18+$0x0]  }
0x135: {  	p0 =	sne.s32 s19, $0x1E0;
	v0 =	vadd.f32 v1, v0;
	v1 =	vld [tilespmem:s31+$0x3000]  }
.Ltmp0:
0x136: {  	[tilespmem:$0x1FF70] =	vst v2;
	v2 =	vld [tilespmem:s18+$0x80];
	s31 =	sor.u32 $0x300, s29;
	(pc) =	sbr.rel @p0 .LBB2_2-.Ltmp0, $4  }
0x137: {  	v4 =	vld [tilespmem:s31+$0x3000]  }
0x138: {  	v7 =	vld [tilespmem:s31+$0x0]  }
0x139: {  	[tilespmem:$0x1FF80] =	vst v0;
	v0 =	vld [tilespmem:s18+$0x100]  }
0x13a: {  	s19 =	sadd.s32 $0x20, s19;
	v26 =	vmov v48;
	v48 =	vmul.f32 v27, v19;
	[tilespmem:$0x1FF30] =	vst v1;
	v1 =	vld [tilespmem:s22+$0x3000]  }
0x13b: {  	_ =	sdelay $0x3  }
0x13c: {  	v3 =	vld.idx.msk [tilespmem:v3+s15+$0x0], $0xffff  }
0x13d: {  	v2 =	vld.idx.msk [tilespmem:v2+s15+$0x0], $0xffff  }
0x13e: {  	v5 =	vld.idx.msk [tilespmem:v5+s15+$0x0], $0xffff  }
0x13f: {  	v15 =	vmul.f32 v15, v20;
	v20 =	vmul.f32 v50, v26;
	v50 =	vld.idx.msk [tilespmem:v57+s15+$0x0], $0xffff  }
0x140: {  	v6 =	vld.idx.msk [tilespmem:v6+s15+$0x0], $0xffff  }
0x141: {  	v8 =	vld.idx.msk [tilespmem:v8+s15+$0x0], $0xffff  }
0x142: {  	v19 =	vmul.f32 v53, v24;
	v53 =	vld.idx.msk [tilespmem:v43+s15+$0x0], $0xffff  }
0x143: {  	v57 =	vld.idx.msk [tilespmem:v41+s15+$0x0], $0xffff  }
0x144: {  	v27 =	vld.idx.msk [tilespmem:v40+s15+$0x0], $0xffff  }
0x145: {  	v10 =	vmul.f32 v10, v28;
	v28 =	vld.idx.msk [tilespmem:v59+s15+$0x0], $0xffff  }
0x146: {  	v11 =	vmul.f32 v11, v30;
	v30 =	vld.idx.msk [tilespmem:v35+s15+$0x0], $0xffff  }
0x147: {  	v12 =	vmul.f32 v12, v32;
	v32 =	vld.idx.msk [tilespmem:v60+s15+$0x0], $0xffff  }
0x148: {  	v29 =	vmul.f32 v52, v29;
	v52 =	vmul.f32 v49, v33;
	v33 =	vld [tilespmem:$0x1FEC0]  }
0x149: {  	v18 =	vmul.f32 v18, v34;
	v34 =	vld.idx.msk [tilespmem:v63+s15+$0x0], $0xffff  }
0x14a: {  	v9 =	vmul.f32 v9, v31;
	v35 =	vld [tilespmem:$0x1FED0]  }
0x14b: {  	v40 =	vld [tilespmem:$0x1FF20]  }
0x14c: {  	v41 =	vld [tilespmem:$0x1FEB0];
	v9 =	vadd.f32 $0.0e+00, v9  }
0x14d: {  	v17 =	vmul.f32 v17, v21;
	v16 =	vmul.f32 v16, v23;
	v42 =	vld.idx.msk [tilespmem:v42+s15+$0x0], $0xffff;
	v23 =	vadd.f32 $0.0e+00, v52  }
0x14e: {  	v13 =	vmul.f32 v13, v22;
	v14 =	vmul.f32 v14, v25;
	v7 =	vld.idx.msk [tilespmem:v7+s15+$0x0], $0xffff;
	v9 =	vadd.f32 v20, v9  }
0x14f: {  	v0 =	vld.idx.msk [tilespmem:v0+s15+$0x0], $0xffff;
	v10 =	vadd.f32 v10, v23;
	v3 =	vmul.f32 v3, v36;
	v2 =	vmul.f32 v2, v38  }
0x150: {  	v31 =	vadd.f32 $0.0e+00, v18;
	v5 =	vmul.f32 v5, v58;
	v58 =	vld [tilespmem:$0x1FEF0];
	v6 =	vmul.f32 v6, v62  }
0x151: {  	v1 =	vmul.f32 v8, v1;
	v36 =	vld.idx.msk [tilespmem:v61+s15+$0x0], $0xffff;
	v9 =	vadd.f32 v13, v9;
	v10 =	vadd.f32 v16, v10  }
0x152: {  	v21 =	vmul.f32 v57, v35;
	v38 =	vld [tilespmem:$0x1FF10];
	v3 =	vadd.f32 $0.0e+00, v3;
	v2 =	vadd.f32 $0.0e+00, v2  }
0x153: {  	v43 =	vmul.f32 v32, v44;
	v44 =	vld [tilespmem:$0x1FF00];
	v5 =	vadd.f32 $0.0e+00, v5;
	v1 =	vadd.f32 v1, v31  }
0x154: {  	v49 =	vld [tilespmem:s18+$0x5190];
	v39 =	vmul.f32 v28, v39;
	v9 =	vadd.f32 v46, v9;
	v10 =	vadd.f32 v48, v10  }
0x155: {  	v0 =	vmul.f32 v0, v37;
	v37 =	vld [tilespmem:$0x1FEE0];
	v3 =	vadd.f32 v29, v3;
	v2 =	vadd.f32 v11, v2  }
0x156: {  	v52 =	vld [tilespmem:$0x1FEA0];
	v4 =	vmul.f32 v7, v4;
	v29 =	vadd.f32 $0.0e+00, v12;
	v1 =	vadd.f32 v14, v1  }
0x157: {  	v11 =	vld.idx.msk [tilespmem:v40+s15+$0x0], $0xffff;
	v22 =	vmul.f32 v50, v58;
	v0 =	vadd.f32 $0.0e+00, v0;
	v9 =	vadd.f32 v54, v9  }
0x158: {  	v8 =	vmul.f32 v36, v45;
	v50 =	vld [tilespmem:$0x1FE90];
	v10 =	vadd.f32 v56, v10;
	v4 =	vadd.f32 v4, v29  }
0x159: {  	v2 =	vadd.f32 v21, v2;
	v0 =	vadd.f32 v6, v0;
	v6 =	vmul.f32 v53, v33;
	v53 =	vld [tilespmem:$0x1FF30]  }
0x15a: {  	v5 =	vadd.f32 v22, v5;
	v1 =	vadd.f32 v8, v1;
	v20 =	vmul.f32 v27, v37;
	v13 =	vld.idx.msk [tilespmem:v38+s15+$0x0], $0xffff  }
0x15b: {  	v7 =	vmul.f32 v34, v47;
	v4 =	vadd.f32 v19, v4;
	v14 =	vld.idx.msk [tilespmem:v44+s15+$0x0], $0xffff;
	v2 =	vadd.f32 v17, v2  }
0x15c: {  	v3 =	vadd.f32 v6, v3;
	v0 =	vadd.f32 v20, v0  }
0x15d: {  	v12 =	vmul.f32 v30, v41;
	v5 =	vadd.f32 v39, v5;
	v4 =	vadd.f32 v7, v4  }
0x15e: {  	v7 =	vmul.f32 v11, v52;
	v3 =	vadd.f32 v15, v3;
	v0 =	vadd.f32 v43, v0  }
0x15f: {  	v5 =	vadd.f32 v12, v5;
	v8 =	vmul.f32 v42, v53;
	v6 =	vmul.f32 v13, v50  }
0x160: {  	v3 =	vadd.f32 v55, v3;
	v57 =	vmul.f32 v14, v49;
	v0 =	vadd.f32 v7, v0  }
0x161: {  	v5 =	vadd.f32 v8, v5;
	v2 =	vadd.f32 v6, v2  }
0x162: {  	v4 =	vadd.f32 v51, v4;
	v1 =	vadd.f32 v57, v1  }
0x163: {  	v0 =	vadd.f32 v5, v0;
	v2 =	vadd.f32 v2, v3  }
0x164: {  	v58 =	vadd.f32 v10, v9  }
0x165: {  	v1 =	vadd.f32 v1, v4;
	v0 =	vadd.f32 v0, v2;
	_ =	sdelay $0x1  }
0x166: {  	v1 =	vadd.f32 v1, v58;
	v0 =	vand.u32 $0x7FFFFFFF, v0  }
0x167: {  	v59 =	vadd.f32 $-5.000000000e-01, v0  }
0x168: {  	v1 =	vand.u32 $0x7FFFFFFF, v1  }
0x169: {  	v60 =	vadd.f32 $-5.000000000e-01, v1;
	v2 =	vmax.f32 v59, $0.0e+00  }
0x16a: {  	v2 =	vadd.f32 v2, v2  }
0x16b: {  	v3 =	vmax.f32 v60, $0.0e+00  }
0x16c: {  	v3 =	vadd.f32 v3, v3;
	v2 =	vmul.f32 $1.442695020e+00, v2;
	_ =	sdelay $0x1  }
0x16d: {  	v3 =	vmul.f32 $1.442695020e+00, v3;
	(erf) = vpow2.f32 v2;
	_ =	sdelay $0x1  }
0x16e: {  	(erf) = vpow2.f32 v3;
	_ =	sdelay $0x6  }
0x16f: {  	v2 =	vpop (erf)  }
0x170: {  	v2 =	vadd.f32 $1.000000000e+00, v2  }
0x171: {  	v3 =	vpop (erf)  }
0x172: {  	v3 =	vadd.f32 $1.000000000e+00, v3;
	(erf) = vrcp.f32 v2;
	_ =	sdelay $0x1  }
0x173: {  	(erf) = vrcp.f32 v3;
	_ =	sdelay $0x5  }
0x174: {  	v62 =	vld [tilespmem:$0x1FF80]  }
0x175: {  	v61 =	vld [tilespmem:$0x1FF70];
	v2 =	vpop (erf)  }
0x176: {  	v2 =	vadd.f32 v2, v2  }
0x177: {  	v3 =	vpop (erf)  }
0x178: {  	v3 =	vadd.f32 v3, v3;
	v2 =	vsub.f32 $1.000000000e+00, v2  }
0x179: {  	v0 =	vadd.f32 v0, v62  }
0x17a: {  	v3 =	vsub.f32 $1.000000000e+00, v3;
	v2 =	vadd.f32 v2, v61  }
0x17b: {  	v0 =	vadd.f32 v1, v0  }
0x17c: {  	v2 =	vadd.f32 v3, v2  }
0x17d: {  	v0 =	vmul.f32 $6.103515630e-05, v0  }
0x17e: {  	s17 =	sadd.s32 $0x1, s17;
	v63 =	vmul.f32 $6.103515630e-05, v2  }
0x17f: {  	p0 =	sne.s32 s17, s7;
	[tilespmem:$0x6200] =	vst v0  }
.Ltmp1:
0x180: {  	[tilespmem:$0x6180] =	vst v63;
	(pc) =	sbr.rel @p0 .LBB2_1-.Ltmp1, $4  }
0x181: {  	[hbm4b:s6+s3] =	stream.linear.scatter [tilespmem:s16], [sflag:$0x3], $0x100, $0x38;
	[tilespmem:$0x6280] =	vst v63  }
0x182: {  	_ =	swait.ge [sflag:s12], $0x100  }
0x183: {  	[sflag:s12] =	ssyncset.done $0x0  }
0x184: {  	[sflag:s12] =	ssyncadd.s32 $0xFFFFFF00  }
0x185: {  	_ =	sfence.sel $0x180000  }
0x186: {  	[bflag:$0x0] =	sbarrier.arrive $0xFFFF  }
0x187: {  	p0 =	sne.s32 s1, $0x0;
	_ =	strace $0x90000047  }
0x188: {  	s0 =	sadd.s32 @!p0 $0x100000, s0;
	[bflag:$0x2] =	sbarrier.arrive $0xFFFF  }
0x189: {  	[sflag:s0] =	ssyncadd.tile.s32 @!p0 $0x1;
	_ =	shalt  }
.Lfunc_end2:
_tile_overlayer_lowered:
.L_overlay_start_2:
0x18a: {  	(tag) =	ssettag $0x2  }
0x18b: {  	s0 =	rddreg [dreg:$0x0];
	s2 =	stileid.u32  }
0x18c: {  	s1 =	rddreg [dreg:$0x1];
	p0 =	sne.s32 s2, $0x0  }
0x18d: {  	s3 =	rddreg [dreg:$0x2];
	[bflag:$0x3] =	sbarrier.arrive $0xFFFF;
	s2 =	simm.s32 @!p0 $0x1C03  }
0x18e: {  	[timem:s3], [sflag:s2] =	dma.local @!p0 [hbm:s0], s1  }
0x18f: {  	s0 =	simm.s32 @!p0 $0x3  }
0x190: {  	_ =	swait.ge @!p0 [sflag:s0], s1  }
0x191: {  	s1 =	ssub.s32 @!p0 $0x0, s1;
	[sflag:s0] =	ssyncset.done @!p0 $0x0  }
0x192: {  	[sflag:s0] =	ssyncadd.s32 @!p0 s1  }
0x193: {  	[bflag:$0x3] =	sbarrier.arrive $0xFFFF  }
0x194: {  	_ =	shalt  }

</sc_bundles>
